<compile_context>
chip_gen: v7x
topology: tpu7x:2x2x1
jax: 0.10.2.dev20260603
libtpu: 0.0.44.dev20260713+nightly
codegen_flags: <defaults>
</compile_context>

<pallas_src>
import jax
import jax.numpy as jnp
from jax import lax
from jax.experimental import pallas as pl
from jax.experimental.pallas import tpu as pltpu
from jax.experimental.pallas import tpu_sc as plsc

HIDDEN = 768
NUM_EXPERTS = 64
EXPERT_DIM = 512
SEQ = 2048

TILE_T = 32
TILES = SEQ // TILE_T + NUM_EXPERTS
ROWS = TILES * TILE_T

_INTERPRET = False


def _router_body(x_ref, wr_ref, probs_ref, pos_ref, wgt_ref, be_ref):
    x = x_ref[...]
    wr = wr_ref[...]
    logits = lax.dot_general(x, wr, (((1,), (1,)), ((), ())),
                             preferred_element_type=jnp.float32)
    m = jnp.max(logits, axis=1, keepdims=True)
    ex = jnp.exp(logits - m)
    probs = ex / jnp.sum(ex, axis=1, keepdims=True)
    probs_ref[...] = probs

    pmax = jnp.max(probs, axis=1, keepdims=True)
    col = lax.broadcasted_iota(jnp.int32, (SEQ, NUM_EXPERTS), 1)
    eidx = jnp.min(jnp.where(probs >= pmax, col, NUM_EXPERTS), axis=1,
                   keepdims=True)
    wgt_ref[...] = pmax / (pmax + 1e-9)

    onehot = (col == eidx).astype(jnp.float32)

    ones_row = jnp.ones((8, SEQ), dtype=jnp.float32)
    counts = lax.dot_general(ones_row, onehot, (((1,), (0,)), ((), ())),
                             preferred_element_type=jnp.float32)[0:1]
    ptc = jnp.floor((counts + (TILE_T - 1)) * (1.0 / TILE_T))
    er = lax.broadcasted_iota(jnp.int32, (NUM_EXPERTS, NUM_EXPERTS), 0)
    ec = lax.broadcasted_iota(jnp.int32, (NUM_EXPERTS, NUM_EXPERTS), 1)
    upper = (er <= ec).astype(jnp.float32)
    tile_start = lax.dot_general(ptc, upper, (((1,), (0,)), ((), ())),
                                 preferred_element_type=jnp.float32) - ptc
    row_start = tile_start * float(TILE_T)

    chunk = 128
    cr = lax.broadcasted_iota(jnp.int32, (chunk, chunk), 0)
    cc = lax.broadcasted_iota(jnp.int32, (chunk, chunk), 1)
    l128 = (cc <= cr).astype(jnp.float32)
    running = jnp.zeros((1, NUM_EXPERTS), jnp.float32)
    for k in range(SEQ // chunk):
        oh_k = onehot[k * chunk:(k + 1) * chunk]
        c_k = lax.dot_general(l128, oh_k, (((1,), (0,)), ((), ())),
                              preferred_element_type=jnp.float32) + running
        running = c_k[chunk - 1:chunk, :]
        posmat = oh_k * (c_k - 1.0 + row_start)
        pos_ref[k * chunk:(k + 1) * chunk, :] = jnp.sum(
            posmat, axis=1, keepdims=True).astype(jnp.int32)

    ti = lax.broadcasted_iota(jnp.int32, (TILES + 1, NUM_EXPERTS), 0).astype(
        jnp.float32)
    le = (jnp.broadcast_to(tile_start, (TILES + 1, NUM_EXPERTS)) <= ti)
    be = jnp.sum(le.astype(jnp.float32), axis=1, keepdims=True) - 1.0
    ntiles = jnp.sum(ptc, axis=1, keepdims=True)
    riota = lax.broadcasted_iota(jnp.int32, (TILES + 1, 1), 0)
    be = jnp.where(riota == TILES, jnp.broadcast_to(ntiles, (TILES + 1, 1)), be)
    be_ref[...] = be.astype(jnp.int32)


def _run_router(x_flat, W_router):
    return pl.pallas_call(
        _router_body,
        out_shape=(
            jax.ShapeDtypeStruct((SEQ, NUM_EXPERTS), jnp.float32),
            jax.ShapeDtypeStruct((SEQ, 1), jnp.int32),
            jax.ShapeDtypeStruct((SEQ, 1), jnp.float32),
            jax.ShapeDtypeStruct((TILES + 1, 1), jnp.int32),
        ),
        interpret=_INTERPRET,
    )(x_flat, W_router)


def _group_ffn_body(be_ref, x_ref, wu_ref, wd_ref, o_ref):
    @pl.when(pl.program_id(0) < be_ref[TILES])
    def _():
        xb = x_ref[...]
        wu = wu_ref[0]
        wd = wd_ref[0]
        y = lax.dot_general(xb, wu, (((1,), (1,)), ((), ())),
                            preferred_element_type=jnp.float32)
        gate = y[:, :EXPERT_DIM]
        up = y[:, EXPERT_DIM:]
        h = gate * jax.nn.sigmoid(gate) * up
        o_ref[...] = lax.dot_general(h, wd, (((1,), (1,)), ((), ())),
                                     preferred_element_type=jnp.float32)


def _run_group_ffn(be, xs, W_up, W_down):
    def live(i, be_s):
        return jnp.minimum(i, be_s[TILES] - 1)

    grid_spec = pltpu.PrefetchScalarGridSpec(
        num_scalar_prefetch=1,
        grid=(TILES,),
        in_specs=[
            pl.BlockSpec((TILE_T, HIDDEN), lambda i, be_s: (live(i, be_s), 0)),
            pl.BlockSpec((1, 2 * EXPERT_DIM, HIDDEN),
                         lambda i, be_s: (be_s[live(i, be_s)], 0, 0)),
            pl.BlockSpec((1, HIDDEN, EXPERT_DIM),
                         lambda i, be_s: (be_s[live(i, be_s)], 0, 0)),
        ],
        out_specs=pl.BlockSpec((TILE_T, HIDDEN),
                               lambda i, be_s: (live(i, be_s), 0)),
    )
    return pl.pallas_call(
        _group_ffn_body,
        grid_spec=grid_spec,
        out_shape=jax.ShapeDtypeStruct((ROWS, HIDDEN), jnp.float32),
        interpret=_INTERPRET,
    )(be, xs, W_up, W_down)


def _combine_body(x_ref, yg_ref, wgt_ref, wu_ref, wd_ref, o_ref):
    x = x_ref[...]
    wu = wu_ref[...]
    wd = wd_ref[...]
    y = lax.dot_general(x, wu, (((1,), (1,)), ((), ())),
                        preferred_element_type=jnp.float32)
    gate = y[:, :EXPERT_DIM]
    up = y[:, EXPERT_DIM:]
    h = gate * jax.nn.sigmoid(gate) * up
    shared = lax.dot_general(h, wd, (((1,), (1,)), ((), ())),
                             preferred_element_type=jnp.float32)
    o_ref[...] = shared + wgt_ref[...] * yg_ref[...]


def _run_combine(x_flat, yg, wgt, W_up_shared, W_down_shared):
    blk = 256
    grid_spec = pl.GridSpec(
        grid=(SEQ // blk,),
        in_specs=[
            pl.BlockSpec((blk, HIDDEN), lambda i: (i, 0)),
            pl.BlockSpec((blk, HIDDEN), lambda i: (i, 0)),
            pl.BlockSpec((blk, 1), lambda i: (i, 0)),
            pl.BlockSpec((2 * EXPERT_DIM, HIDDEN), lambda i: (0, 0)),
            pl.BlockSpec((HIDDEN, EXPERT_DIM), lambda i: (0, 0)),
        ],
        out_specs=pl.BlockSpec((blk, HIDDEN), lambda i: (i, 0)),
    )
    return pl.pallas_call(
        _combine_body,
        grid_spec=grid_spec,
        out_shape=jax.ShapeDtypeStruct((SEQ, HIDDEN), jnp.float32),
        interpret=_INTERPRET,
    )(x_flat, yg, wgt, W_up_shared, W_down_shared)


_SC_NC = 2
_SC_NS = 16
_NW = _SC_NC * _SC_NS
_TPW = SEQ // _NW


def _sc_mesh():
    return plsc.VectorSubcoreMesh(core_axis_name="c", subcore_axis_name="s")


def _sc_worker_base():
    wid = lax.axis_index("s") * _SC_NC + lax.axis_index("c")
    return wid * _TPW


def _sc_scatter_body(x_hbm, pos_hbm, xs_hbm, idx_v, rows_v, sem):
    base = _sc_worker_base()
    pltpu.sync_copy(pos_hbm.at[pl.ds(base, _TPW)], idx_v)
    pltpu.sync_copy(x_hbm.at[pl.ds(base, _TPW)], rows_v)
    pltpu.async_copy(rows_v, xs_hbm.at[idx_v], sem).wait()


def _sc_scatter_rows(x_flat, pos1d):
    return pl.kernel(
        _sc_scatter_body,
        mesh=_sc_mesh(),
        out_type=jax.ShapeDtypeStruct((ROWS, HIDDEN), jnp.float32),
        scratch_types=[
            pltpu.VMEM((_TPW,), jnp.int32),
            pltpu.VMEM((_TPW, HIDDEN), jnp.float32),
            pltpu.SemaphoreType.DMA,
        ],
    )(x_flat, pos1d)


def _sc_gather_body(ys_hbm, pos_hbm, yg_hbm, idx_v, rows_v, sem):
    base = _sc_worker_base()
    pltpu.sync_copy(pos_hbm.at[pl.ds(base, _TPW)], idx_v)
    pltpu.async_copy(ys_hbm.at[idx_v], rows_v, sem).wait()
    pltpu.sync_copy(rows_v, yg_hbm.at[pl.ds(base, _TPW)])


def _sc_gather_rows(ys, pos1d):
    return pl.kernel(
        _sc_gather_body,
        mesh=_sc_mesh(),
        out_type=jax.ShapeDtypeStruct((SEQ, HIDDEN), jnp.float32),
        scratch_types=[
            pltpu.VMEM((_TPW,), jnp.int32),
            pltpu.VMEM((_TPW, HIDDEN), jnp.float32),
            pltpu.SemaphoreType.DMA,
        ],
    )(ys, pos1d)


def kernel(x, W_router, W_up, W_down, W_up_shared, W_down_shared):
    bsz, seq, hidden = x.shape
    x_flat = x.reshape(-1, hidden)
    probs, pos, wgt, be = _run_router(x_flat, W_router)
    pos1d = pos.reshape(-1)
    be1d = be.reshape(-1)
    xs = _sc_scatter_rows(x_flat, pos1d)
    ys = _run_group_ffn(be1d, xs, W_up, W_down)
    yg = _sc_gather_rows(ys, pos1d)
    out = _run_combine(x_flat, yg, wgt, W_up_shared, W_down_shared)
    return out.reshape(bsz, seq, hidden), probs

# --- scband reference (transcript-rebuilt; emitter-appended) ---
"""Pipeline reference for scband-mo-elayer-70944269795990 (READ-ONLY COPY).

The authoritative reference and input builder live on the scoring server;
editing this copy changes nothing except your own understanding.
"""

import jax, jax.numpy as jnp
import numpy as np

HIDDEN = 768
NUM_EXPERTS = 64
NUM_ACTIVE = 1
EXPERT_DIM = 512
B = 1
S = 2048


def _expert(x, w_up, w_down):
    # torch nn.Linear stores weight as [out, in]; y = x @ W.T
    y = x @ w_up.T
    gate, up = jnp.split(y, 2, axis=-1)
    return (jax.nn.silu(gate) * up) @ w_down.T


def setup_inputs(seed: int = 0) -> dict:
    key = jax.random.key(seed)
    ks = jax.random.split(key, 6)
    x = jax.random.normal(ks[0], (B, S, HIDDEN), dtype=jnp.float32)
    W_router = jax.random.normal(ks[1], (NUM_EXPERTS, HIDDEN), dtype=jnp.float32) * 0.02
    W_up = jax.random.normal(ks[2], (NUM_EXPERTS, 2 * EXPERT_DIM, HIDDEN), dtype=jnp.float32) * 0.02
    W_down = jax.random.normal(ks[3], (NUM_EXPERTS, HIDDEN, EXPERT_DIM), dtype=jnp.float32) * 0.02
    W_up_shared = jax.random.normal(ks[4], (2 * EXPERT_DIM, HIDDEN), dtype=jnp.float32) * 0.02
    W_down_shared = jax.random.normal(ks[5], (HIDDEN, EXPERT_DIM), dtype=jnp.float32) * 0.02
    return {
        "x": x,
        "W_router": W_router,
        "W_up": W_up,
        "W_down": W_down,
        "W_up_shared": W_up_shared,
        "W_down_shared": W_down_shared,
    }


def reference(x, W_router, W_up, W_down, W_up_shared, W_down_shared):
    bsz, seq, hidden = x.shape
    x_flat = x.reshape(-1, hidden)
    router_logits = x_flat @ W_router.T
    router_probs = jax.nn.softmax(router_logits, axis=-1)
    topk_probs, topk_indices = jax.lax.top_k(router_probs, NUM_ACTIVE)
    topk_probs = topk_probs / (topk_probs.sum(axis=-1, keepdims=True) + 1e-9)
    # per-token combine weight for each expert: [T, E]
    combine = (jax.nn.one_hot(topk_indices, NUM_EXPERTS, dtype=x_flat.dtype) * topk_probs[..., None]).sum(axis=1)
    output = jnp.zeros_like(x_flat)
    for e in range(NUM_EXPERTS):
        # dense equivalent of masked dispatch: tokens not routed to e have combine weight 0
        expert_out = _expert(x_flat, W_up[e], W_down[e])
        output = output + combine[:, e:e + 1] * expert_out
    output = output + _expert(x_flat, W_up_shared, W_down_shared)
    output = output.reshape(bsz, seq, hidden)
    return output, router_probs

if __name__ == "__main__":
    import jax
    _d = setup_inputs()
    print(jax.jit(kernel)(*tuple(_d.values())))

</pallas_src>

<mosaic_0001>
#map = affine_map<(d0, d1) -> (0, 0)>
#map1 = affine_map<(d0, d1) -> (0)>
module attributes {stable_mosaic.version = 14 : i64} {
  func.func @_sc_gather_body(%arg0: i32, %arg1: i32, %arg2: memref<4096x768xf32, #tpu.memory_space<hbm>>, %arg3: memref<2048xi32, #tpu.memory_space<hbm>>, %arg4: memref<2048x768xf32, #tpu.memory_space<hbm>>, %arg5: memref<64xi32, #tpu.memory_space<vmem>>, %arg6: memref<64x768xf32, #tpu.memory_space<vmem>>, %arg7: memref<!tpu.dma_semaphore, #tpu.memory_space<semaphore_mem>>) attributes {dimension_semantics = [#tpu.dimension_semantics<core_parallel>, #tpu.dimension_semantics<subcore_parallel>], iteration_bounds = array<i64: 2, 16>, scalar_prefetch = 0 : i64, scratch_operands = 3 : i64, tpu.core_type = #tpu.core_type<sc_vector_subcore>, window_params = [{transform_indices = #map}, {transform_indices = #map1}, {transform_indices = #map}]} {
    %mul3A = arith.constant 2 : i32
    %mul3A_0 = arith.muli %arg1, %mul3A : i32
    %add3A = arith.addi %mul3A_0, %arg0 : i32
    %mul3A_1 = arith.constant 64 : i32
    %mul3A_2 = arith.muli %add3A, %mul3A_1 : i32
    "tpu.region"() ({
      %run_scoped3A = tpu.sem_alloc : memref<!tpu.dma_semaphore, #tpu.memory_space<semaphore_mem>>
      %dma_start3A_7 = tpu.memref_slice %arg3[%mul3A_2] : memref<2048xi32, #tpu.memory_space<hbm>> -> memref<64xi32, #tpu.memory_space<hbm>>
      %dma_start3A_8 = tpu.memref_slice %arg3[%mul3A_2] : memref<2048xi32, #tpu.memory_space<hbm>> -> memref<64xi32, #tpu.memory_space<hbm>>
      tpu.enqueue_dma source(%dma_start3A_8 : memref<64xi32, #tpu.memory_space<hbm>>) target(%arg5 : memref<64xi32, #tpu.memory_space<vmem>>) target_semaphore(%run_scoped3A : memref<!tpu.dma_semaphore, #tpu.memory_space<semaphore_mem>>)
      %dma_wait3A_9 = tpu.memref_slice %arg3[%mul3A_2] : memref<2048xi32, #tpu.memory_space<hbm>> -> memref<64xi32, #tpu.memory_space<hbm>>
      %dma_wait3A_10 = tpu.memref_slice %arg3[%mul3A_2] : memref<2048xi32, #tpu.memory_space<hbm>> -> memref<64xi32, #tpu.memory_space<hbm>>
      tpu.wait_dma2 semaphore(%run_scoped3A : memref<!tpu.dma_semaphore, #tpu.memory_space<semaphore_mem>>) src(%dma_wait3A_10 : memref<64xi32, #tpu.memory_space<hbm>>) dst(%arg5 : memref<64xi32, #tpu.memory_space<vmem>>)
      tpu.yield
    }) : () -> ()
    %dma_start3A = arith.constant 0 : i32
    %dma_start3A_3 = arith.constant 0 : i32
    %dma_start3A_4 = tpu.memref_slice %arg2[%dma_start3A, %dma_start3A_3] : memref<4096x768xf32, #tpu.memory_space<hbm>> -> memref<4096x768xf32, #tpu.memory_space<hbm>>
    tpu.enqueue_indirect_dma source(%dma_start3A_4 : memref<4096x768xf32, #tpu.memory_space<hbm>>) target(%arg6 : memref<64x768xf32, #tpu.memory_space<vmem>>) offsets(%arg5 : memref<64xi32, #tpu.memory_space<vmem>>) semaphore(%arg7 : memref<!tpu.dma_semaphore, #tpu.memory_space<semaphore_mem>>)
    %dma_wait3A = arith.constant 0 : i32
    %dma_wait3A_5 = arith.constant 0 : i32
    %dma_wait3A_6 = tpu.memref_slice %arg2[%dma_wait3A, %dma_wait3A_5] : memref<4096x768xf32, #tpu.memory_space<hbm>> -> memref<4096x768xf32, #tpu.memory_space<hbm>>
    tpu.wait_indirect_dma semaphore(%arg7 : memref<!tpu.dma_semaphore, #tpu.memory_space<semaphore_mem>>) src(%dma_wait3A_6 : memref<4096x768xf32, #tpu.memory_space<hbm>>) dst(%arg6 : memref<64x768xf32, #tpu.memory_space<vmem>>)
    "tpu.region"() ({
      %run_scoped3A = tpu.sem_alloc : memref<!tpu.dma_semaphore, #tpu.memory_space<semaphore_mem>>
      %dma_start3A_7 = arith.constant 0 : i32
      %dma_start3A_8 = tpu.memref_slice %arg4[%mul3A_2, %dma_start3A_7] : memref<2048x768xf32, #tpu.memory_space<hbm>> -> memref<64x768xf32, #tpu.memory_space<hbm>>
      %dma_start3A_9 = arith.constant 0 : i32
      %dma_start3A_10 = tpu.memref_slice %arg4[%mul3A_2, %dma_start3A_9] : memref<2048x768xf32, #tpu.memory_space<hbm>> -> memref<64x768xf32, #tpu.memory_space<hbm>>
      tpu.enqueue_dma source(%arg6 : memref<64x768xf32, #tpu.memory_space<vmem>>) target(%dma_start3A_10 : memref<64x768xf32, #tpu.memory_space<hbm>>) target_semaphore(%run_scoped3A : memref<!tpu.dma_semaphore, #tpu.memory_space<semaphore_mem>>)
      %dma_wait3A_11 = arith.constant 0 : i32
      %dma_wait3A_12 = tpu.memref_slice %arg4[%mul3A_2, %dma_wait3A_11] : memref<2048x768xf32, #tpu.memory_space<hbm>> -> memref<64x768xf32, #tpu.memory_space<hbm>>
      %dma_wait3A_13 = arith.constant 0 : i32
      %dma_wait3A_14 = tpu.memref_slice %arg4[%mul3A_2, %dma_wait3A_13] : memref<2048x768xf32, #tpu.memory_space<hbm>> -> memref<64x768xf32, #tpu.memory_space<hbm>>
      tpu.wait_dma2 semaphore(%run_scoped3A : memref<!tpu.dma_semaphore, #tpu.memory_space<semaphore_mem>>) src(%arg6 : memref<64x768xf32, #tpu.memory_space<vmem>>) dst(%dma_wait3A_14 : memref<64x768xf32, #tpu.memory_space<hbm>>)
      tpu.yield
    }) : () -> ()
    return
  }
}

#map = affine_map<(d0, d1) -> (0, 0)>
#map1 = affine_map<(d0, d1) -> (0)>
module attributes {stable_mosaic.version = 14 : i64} {
  func.func @_sc_scatter_body(%arg0: i32, %arg1: i32, %arg2: memref<2048x768xf32, #tpu.memory_space<hbm>>, %arg3: memref<2048xi32, #tpu.memory_space<hbm>>, %arg4: memref<4096x768xf32, #tpu.memory_space<hbm>>, %arg5: memref<64xi32, #tpu.memory_space<vmem>>, %arg6: memref<64x768xf32, #tpu.memory_space<vmem>>, %arg7: memref<!tpu.dma_semaphore, #tpu.memory_space<semaphore_mem>>) attributes {dimension_semantics = [#tpu.dimension_semantics<core_parallel>, #tpu.dimension_semantics<subcore_parallel>], iteration_bounds = array<i64: 2, 16>, scalar_prefetch = 0 : i64, scratch_operands = 3 : i64, tpu.core_type = #tpu.core_type<sc_vector_subcore>, window_params = [{transform_indices = #map}, {transform_indices = #map1}, {transform_indices = #map}]} {
    %mul3A = arith.constant 2 : i32
    %mul3A_0 = arith.muli %arg1, %mul3A : i32
    %add3A = arith.addi %mul3A_0, %arg0 : i32
    %mul3A_1 = arith.constant 64 : i32
    %mul3A_2 = arith.muli %add3A, %mul3A_1 : i32
    "tpu.region"() ({
      %run_scoped3A = tpu.sem_alloc : memref<!tpu.dma_semaphore, #tpu.memory_space<semaphore_mem>>
      %dma_start3A_7 = tpu.memref_slice %arg3[%mul3A_2] : memref<2048xi32, #tpu.memory_space<hbm>> -> memref<64xi32, #tpu.memory_space<hbm>>
      %dma_start3A_8 = tpu.memref_slice %arg3[%mul3A_2] : memref<2048xi32, #tpu.memory_space<hbm>> -> memref<64xi32, #tpu.memory_space<hbm>>
      tpu.enqueue_dma source(%dma_start3A_8 : memref<64xi32, #tpu.memory_space<hbm>>) target(%arg5 : memref<64xi32, #tpu.memory_space<vmem>>) target_semaphore(%run_scoped3A : memref<!tpu.dma_semaphore, #tpu.memory_space<semaphore_mem>>)
      %dma_wait3A_9 = tpu.memref_slice %arg3[%mul3A_2] : memref<2048xi32, #tpu.memory_space<hbm>> -> memref<64xi32, #tpu.memory_space<hbm>>
      %dma_wait3A_10 = tpu.memref_slice %arg3[%mul3A_2] : memref<2048xi32, #tpu.memory_space<hbm>> -> memref<64xi32, #tpu.memory_space<hbm>>
      tpu.wait_dma2 semaphore(%run_scoped3A : memref<!tpu.dma_semaphore, #tpu.memory_space<semaphore_mem>>) src(%dma_wait3A_10 : memref<64xi32, #tpu.memory_space<hbm>>) dst(%arg5 : memref<64xi32, #tpu.memory_space<vmem>>)
      tpu.yield
    }) : () -> ()
    "tpu.region"() ({
      %run_scoped3A = tpu.sem_alloc : memref<!tpu.dma_semaphore, #tpu.memory_space<semaphore_mem>>
      %dma_start3A_7 = arith.constant 0 : i32
      %dma_start3A_8 = tpu.memref_slice %arg2[%mul3A_2, %dma_start3A_7] : memref<2048x768xf32, #tpu.memory_space<hbm>> -> memref<64x768xf32, #tpu.memory_space<hbm>>
      %dma_start3A_9 = arith.constant 0 : i32
      %dma_start3A_10 = tpu.memref_slice %arg2[%mul3A_2, %dma_start3A_9] : memref<2048x768xf32, #tpu.memory_space<hbm>> -> memref<64x768xf32, #tpu.memory_space<hbm>>
      tpu.enqueue_dma source(%dma_start3A_10 : memref<64x768xf32, #tpu.memory_space<hbm>>) target(%arg6 : memref<64x768xf32, #tpu.memory_space<vmem>>) target_semaphore(%run_scoped3A : memref<!tpu.dma_semaphore, #tpu.memory_space<semaphore_mem>>)
      %dma_wait3A_11 = arith.constant 0 : i32
      %dma_wait3A_12 = tpu.memref_slice %arg2[%mul3A_2, %dma_wait3A_11] : memref<2048x768xf32, #tpu.memory_space<hbm>> -> memref<64x768xf32, #tpu.memory_space<hbm>>
      %dma_wait3A_13 = arith.constant 0 : i32
      %dma_wait3A_14 = tpu.memref_slice %arg2[%mul3A_2, %dma_wait3A_13] : memref<2048x768xf32, #tpu.memory_space<hbm>> -> memref<64x768xf32, #tpu.memory_space<hbm>>
      tpu.wait_dma2 semaphore(%run_scoped3A : memref<!tpu.dma_semaphore, #tpu.memory_space<semaphore_mem>>) src(%dma_wait3A_14 : memref<64x768xf32, #tpu.memory_space<hbm>>) dst(%arg6 : memref<64x768xf32, #tpu.memory_space<vmem>>)
      tpu.yield
    }) : () -> ()
    %dma_start3A = arith.constant 0 : i32
    %dma_start3A_3 = arith.constant 0 : i32
    %dma_start3A_4 = tpu.memref_slice %arg4[%dma_start3A, %dma_start3A_3] : memref<4096x768xf32, #tpu.memory_space<hbm>> -> memref<4096x768xf32, #tpu.memory_space<hbm>>
    tpu.enqueue_indirect_dma source(%arg6 : memref<64x768xf32, #tpu.memory_space<vmem>>) target(%dma_start3A_4 : memref<4096x768xf32, #tpu.memory_space<hbm>>) offsets(%arg5 : memref<64xi32, #tpu.memory_space<vmem>>) semaphore(%arg7 : memref<!tpu.dma_semaphore, #tpu.memory_space<semaphore_mem>>)
    %dma_wait3A = arith.constant 0 : i32
    %dma_wait3A_5 = arith.constant 0 : i32
    %dma_wait3A_6 = tpu.memref_slice %arg4[%dma_wait3A, %dma_wait3A_5] : memref<4096x768xf32, #tpu.memory_space<hbm>> -> memref<4096x768xf32, #tpu.memory_space<hbm>>
    tpu.wait_indirect_dma semaphore(%arg7 : memref<!tpu.dma_semaphore, #tpu.memory_space<semaphore_mem>>) src(%arg6 : memref<64x768xf32, #tpu.memory_space<vmem>>) dst(%dma_wait3A_6 : memref<4096x768xf32, #tpu.memory_space<hbm>>)
    return
  }
}

module attributes {stable_mosaic.version = 14 : i64} {
  func.func @_group_ffn_body(%arg0: i32, %arg1: memref<129xi32, #tpu.memory_space<smem>>, %arg2: memref<32x768xf32, #tpu.memory_space<vmem>>, %arg3: memref<1x1024x768xf32, #tpu.memory_space<vmem>>, %arg4: memref<1x768x512xf32, #tpu.memory_space<vmem>>, %arg5: memref<32x768xf32, #tpu.memory_space<vmem>>) attributes {dimension_semantics = [#tpu.dimension_semantics<arbitrary>], iteration_bounds = array<i64: 128>, scalar_prefetch = 1 : i64, scratch_operands = 0 : i64, tpu.core_type = #tpu.core_type<tc>, window_params = [{transform_indices = @transform_0, window_bounds = array<i64: 32, 768>}, {transform_indices = @transform_1, window_bounds = array<i64: 1, 1024, 768>}, {transform_indices = @transform_2, window_bounds = array<i64: 1, 768, 512>}, {transform_indices = @transform_3, window_bounds = array<i64: 32, 768>}]} {
    %get3A = arith.constant 128 : index
    %get3A_0 = memref.load %arg1[%get3A] : memref<129xi32, #tpu.memory_space<smem>>
    %lt3A = arith.cmpi slt, %arg0, %get3A_0 : i32
    %convert_element_type3A = arith.extui %lt3A : i1 to i32
    %cond3A = arith.constant 0 : i32
    %cond3A_1 = arith.cmpi ne, %convert_element_type3A, %cond3A : i32
    scf.if %cond3A_1 {
      %get3A_2 = arith.constant 0 : index
      %get3A_3 = arith.constant 0 : index
      %get3A_4 = vector.load %arg2[%get3A_2, %get3A_3] : memref<32x768xf32, #tpu.memory_space<vmem>>, vector<32x768xf32>
      %get3A_5 = arith.constant 0 : index
      %get3A_6 = arith.constant 0 : index
      %get3A_7 = arith.constant 0 : index
      %get3A_8 = vector.load %arg3[%get3A_5, %get3A_6, %get3A_7] : memref<1x1024x768xf32, #tpu.memory_space<vmem>>, vector<1x1024x768xf32>
      %get3A_9 = vector.shape_cast %get3A_8 : vector<1x1024x768xf32> to vector<1024x768xf32>
      %get3A_10 = arith.constant 0 : index
      %get3A_11 = arith.constant 0 : index
      %get3A_12 = arith.constant 0 : index
      %get3A_13 = vector.load %arg4[%get3A_10, %get3A_11, %get3A_12] : memref<1x768x512xf32, #tpu.memory_space<vmem>>, vector<1x768x512xf32>
      %get3A_14 = vector.shape_cast %get3A_13 : vector<1x768x512xf32> to vector<768x512xf32>
      %dot_general3A = arith.constant dense<0.000000e+00> : vector<32x1024xf32>
      %dot_general3A_15 = tpu.matmul %get3A_4, %get3A_9, %dot_general3A {dimension_numbers = #tpu.dot_dimension_numbers<[1], [1], [0], [0], [0, 0, 1, 0], [], []>, transpose_lhs_hint = false} : vector<32x768xf32>, vector<1024x768xf32>, vector<32x1024xf32> -> vector<32x1024xf32>
      %slice3A = vector.extract_strided_slice %dot_general3A_15 {offsets = [0, 0], sizes = [32, 512], strides = [1, 1]} : vector<32x1024xf32> to vector<32x512xf32>
      %slice3A_16 = vector.extract_strided_slice %dot_general3A_15 {offsets = [0, 512], sizes = [32, 512], strides = [1, 1]} : vector<32x1024xf32> to vector<32x512xf32>
      %logistic3A = arith.negf %slice3A : vector<32x512xf32>
      %logistic3A_17 = math.exp %logistic3A : vector<32x512xf32>
      %logistic3A_18 = arith.constant 1.000000e+00 : f32
      %logistic3A_19 = vector.broadcast %logistic3A_18 : f32 to vector<32x512xf32>
      %logistic3A_20 = arith.addf %logistic3A_19, %logistic3A_17 : vector<32x512xf32>
      %logistic3A_21 = arith.divf %logistic3A_19, %logistic3A_20 : vector<32x512xf32>
      %mul3A = arith.mulf %slice3A, %logistic3A_21 : vector<32x512xf32>
      %mul3A_22 = arith.mulf %mul3A, %slice3A_16 : vector<32x512xf32>
      %dot_general3A_23 = arith.constant dense<0.000000e+00> : vector<32x768xf32>
      %dot_general3A_24 = tpu.matmul %mul3A_22, %get3A_14, %dot_general3A_23 {dimension_numbers = #tpu.dot_dimension_numbers<[1], [1], [0], [0], [0, 0, 1, 0], [], []>, transpose_lhs_hint = false} : vector<32x512xf32>, vector<768x512xf32>, vector<32x768xf32> -> vector<32x768xf32>
      %swap3A = arith.constant 0 : index
      %swap3A_25 = arith.constant 0 : index
      %swap3A_26 = vector.load %arg5[%swap3A, %swap3A_25] : memref<32x768xf32, #tpu.memory_space<vmem>>, vector<32x768xf32>
      tpu.vector_store %arg5[%swap3A, %swap3A_25], %dot_general3A_24 {strides = array<i32>} : memref<32x768xf32, #tpu.memory_space<vmem>>, vector<32x768xf32>,
    } else {
    }
    return
  }
  func.func @transform_0(%arg0: i32, %arg1: memref<129xi32, #tpu.memory_space<smem>>) -> (i32, i32) {
    %get3A = arith.constant 128 : index
    %get3A_0 = memref.load %arg1[%get3A] : memref<129xi32, #tpu.memory_space<smem>>
    %sub3A = arith.constant 1 : i32
    %sub3A_1 = arith.subi %get3A_0, %sub3A : i32
    %min3A = arith.minsi %arg0, %sub3A_1 : i32
    %c0_i32 = arith.constant 0 : i32
    %c0_i32_2 = arith.constant 0 : i32
    return %min3A, %c0_i32 : i32, i32
  }
  func.func @transform_1(%arg0: i32, %arg1: memref<129xi32, #tpu.memory_space<smem>>) -> (i32, i32, i32) {
    %get3A = arith.constant 128 : index
    %get3A_0 = memref.load %arg1[%get3A] : memref<129xi32, #tpu.memory_space<smem>>
    %sub3A = arith.constant 1 : i32
    %sub3A_1 = arith.subi %get3A_0, %sub3A : i32
    %min3A = arith.minsi %arg0, %sub3A_1 : i32
    %get3A_2 = arith.index_cast %min3A : i32 to index
    %get3A_3 = memref.load %arg1[%get3A_2] : memref<129xi32, #tpu.memory_space<smem>>
    %c0_i32 = arith.constant 0 : i32
    %c0_i32_4 = arith.constant 0 : i32
    %c0_i32_5 = arith.constant 0 : i32
    return %get3A_3, %c0_i32, %c0_i32_4 : i32, i32, i32
  }
  func.func @transform_2(%arg0: i32, %arg1: memref<129xi32, #tpu.memory_space<smem>>) -> (i32, i32, i32) {
    %get3A = arith.constant 128 : index
    %get3A_0 = memref.load %arg1[%get3A] : memref<129xi32, #tpu.memory_space<smem>>
    %sub3A = arith.constant 1 : i32
    %sub3A_1 = arith.subi %get3A_0, %sub3A : i32
    %min3A = arith.minsi %arg0, %sub3A_1 : i32
    %get3A_2 = arith.index_cast %min3A : i32 to index
    %get3A_3 = memref.load %arg1[%get3A_2] : memref<129xi32, #tpu.memory_space<smem>>
    %c0_i32 = arith.constant 0 : i32
    %c0_i32_4 = arith.constant 0 : i32
    %c0_i32_5 = arith.constant 0 : i32
    return %get3A_3, %c0_i32, %c0_i32_4 : i32, i32, i32
  }
  func.func @transform_3(%arg0: i32, %arg1: memref<129xi32, #tpu.memory_space<smem>>) -> (i32, i32) {
    %get3A = arith.constant 128 : index
    %get3A_0 = memref.load %arg1[%get3A] : memref<129xi32, #tpu.memory_space<smem>>
    %sub3A = arith.constant 1 : i32
    %sub3A_1 = arith.subi %get3A_0, %sub3A : i32
    %min3A = arith.minsi %arg0, %sub3A_1 : i32
    %c0_i32 = arith.constant 0 : i32
    %c0_i32_2 = arith.constant 0 : i32
    return %min3A, %c0_i32 : i32, i32
  }
}

module attributes {stable_mosaic.version = 14 : i64} {
  func.func @_router_body(%arg0: memref<2048x768xf32, #tpu.memory_space<vmem>>, %arg1: memref<64x768xf32, #tpu.memory_space<vmem>>, %arg2: memref<2048x64xf32, #tpu.memory_space<vmem>>, %arg3: memref<2048x1xi32, #tpu.memory_space<vmem>>, %arg4: memref<2048x1xf32, #tpu.memory_space<vmem>>, %arg5: memref<129x1xi32, #tpu.memory_space<vmem>>) attributes {dimension_semantics = [], scalar_prefetch = 0 : i64, scratch_operands = 0 : i64, tpu.core_type = #tpu.core_type<tc>} {
    %get3A = arith.constant 0 : index
    %get3A_0 = arith.constant 0 : index
    %get3A_1 = vector.load %arg0[%get3A, %get3A_0] : memref<2048x768xf32, #tpu.memory_space<vmem>>, vector<2048x768xf32>
    %get3A_2 = arith.constant 0 : index
    %get3A_3 = arith.constant 0 : index
    %get3A_4 = vector.load %arg1[%get3A_2, %get3A_3] : memref<64x768xf32, #tpu.memory_space<vmem>>, vector<64x768xf32>
    %dot_general3A = arith.constant dense<0.000000e+00> : vector<2048x64xf32>
    %dot_general3A_5 = tpu.matmul %get3A_1, %get3A_4, %dot_general3A {dimension_numbers = #tpu.dot_dimension_numbers<[1], [1], [0], [0], [0, 0, 1, 0], [], []>, transpose_lhs_hint = false} : vector<2048x768xf32>, vector<64x768xf32>, vector<2048x64xf32> -> vector<2048x64xf32>
    %reduce_max3A = arith.constant dense<0xFF800000> : vector<2048xf32>
    %reduce_max3A_6 = vector.multi_reduction <maximumf>, %dot_general3A_5, %reduce_max3A [1] : vector<2048x64xf32> to vector<2048xf32>
    %broadcast_in_dim3A = vector.shape_cast %reduce_max3A_6 : vector<2048xf32> to vector<2048x1xf32>
    %sub3A = vector.broadcast %broadcast_in_dim3A : vector<2048x1xf32> to vector<2048x64xf32>
    %sub3A_7 = arith.subf %dot_general3A_5, %sub3A : vector<2048x64xf32>
    %exp3A = math.exp %sub3A_7 : vector<2048x64xf32>
    %reduce_sum3A = arith.constant dense<0.000000e+00> : vector<2048xf32>
    %reduce_sum3A_8 = vector.multi_reduction <add>, %exp3A, %reduce_sum3A [1] : vector<2048x64xf32> to vector<2048xf32>
    %broadcast_in_dim3A_9 = vector.shape_cast %reduce_sum3A_8 : vector<2048xf32> to vector<2048x1xf32>
    %div3A = vector.broadcast %broadcast_in_dim3A_9 : vector<2048x1xf32> to vector<2048x64xf32>
    %div3A_10 = arith.divf %exp3A, %div3A : vector<2048x64xf32>
    %swap3A = arith.constant 0 : index
    %swap3A_11 = arith.constant 0 : index
    %swap3A_12 = vector.load %arg2[%swap3A, %swap3A_11] : memref<2048x64xf32, #tpu.memory_space<vmem>>, vector<2048x64xf32>
    tpu.vector_store %arg2[%swap3A, %swap3A_11], %div3A_10 {strides = array<i32>} : memref<2048x64xf32, #tpu.memory_space<vmem>>, vector<2048x64xf32>,
    %reduce_max3A_13 = arith.constant dense<0xFF800000> : vector<2048xf32>
    %reduce_max3A_14 = vector.multi_reduction <maximumf>, %div3A_10, %reduce_max3A_13 [1] : vector<2048x64xf32> to vector<2048xf32>
    %broadcast_in_dim3A_15 = vector.shape_cast %reduce_max3A_14 : vector<2048xf32> to vector<2048x1xf32>
    %iota3A = tpu.iota {dimensions = array<i32: 1>} : vector<2048x64xi32>
    %ge3A = vector.broadcast %broadcast_in_dim3A_15 : vector<2048x1xf32> to vector<2048x64xf32>
    %ge3A_16 = arith.cmpf oge, %div3A_10, %ge3A : vector<2048x64xf32>
    %jit3A = arith.constant 64 : i32
    %broadcast_in_dim3A_17 = vector.broadcast %jit3A : i32 to vector<2048x64xi32>
    %select_n3A = arith.select %ge3A_16, %iota3A, %broadcast_in_dim3A_17 : vector<2048x64xi1>, vector<2048x64xi32>
    %reduce_min3A = arith.constant dense<2147483647> : vector<2048xi32>
    %reduce_min3A_18 = vector.multi_reduction <minsi>, %select_n3A, %reduce_min3A [1] : vector<2048x64xi32> to vector<2048xi32>
    %broadcast_in_dim3A_19 = vector.shape_cast %reduce_min3A_18 : vector<2048xi32> to vector<2048x1xi32>
    %add3A = arith.constant 9.99999971E-10 : f32
    %add3A_20 = vector.broadcast %add3A : f32 to vector<2048x1xf32>
    %add3A_21 = arith.addf %broadcast_in_dim3A_15, %add3A_20 : vector<2048x1xf32>
    %div3A_22 = arith.divf %broadcast_in_dim3A_15, %add3A_21 : vector<2048x1xf32>
    %swap3A_23 = arith.constant 0 : index
    %swap3A_24 = arith.constant 0 : index
    %swap3A_25 = vector.load %arg4[%swap3A_23, %swap3A_24] : memref<2048x1xf32, #tpu.memory_space<vmem>>, vector<2048x1xf32>
    tpu.vector_store %arg4[%swap3A_23, %swap3A_24], %div3A_22 {strides = array<i32>} : memref<2048x1xf32, #tpu.memory_space<vmem>>, vector<2048x1xf32>,
    %eq3A = vector.broadcast %broadcast_in_dim3A_19 : vector<2048x1xi32> to vector<2048x64xi32>
    %eq3A_26 = arith.cmpi eq, %iota3A, %eq3A : vector<2048x64xi32>
    %convert_element_type3A = arith.extui %eq3A_26 : vector<2048x64xi1> to vector<2048x64xi32>
    %convert_element_type3A_27 = arith.sitofp %convert_element_type3A : vector<2048x64xi32> to vector<2048x64xf32>
    %broadcast_in_dim3A_28 = arith.constant 1.000000e+00 : f32
    %broadcast_in_dim3A_29 = vector.broadcast %broadcast_in_dim3A_28 : f32 to vector<8x2048xf32>
    %dot_general3A_30 = arith.constant dense<0.000000e+00> : vector<8x64xf32>
    %dot_general3A_31 = tpu.matmul %broadcast_in_dim3A_29, %convert_element_type3A_27, %dot_general3A_30 {dimension_numbers = #tpu.dot_dimension_numbers<[1], [0], [0], [1], [0, 0, 1, 1], [], []>, transpose_lhs_hint = false} : vector<8x2048xf32>, vector<2048x64xf32>, vector<8x64xf32> -> vector<8x64xf32>
    %slice3A = vector.extract_strided_slice %dot_general3A_31 {offsets = [0, 0], sizes = [1, 64], strides = [1, 1]} : vector<8x64xf32> to vector<1x64xf32>
    %add3A_32 = arith.constant 3.100000e+01 : f32
    %add3A_33 = vector.broadcast %add3A_32 : f32 to vector<1x64xf32>
    %add3A_34 = arith.addf %slice3A, %add3A_33 : vector<1x64xf32>
    %mul3A = arith.constant 3.125000e-02 : f32
    %mul3A_35 = vector.broadcast %mul3A : f32 to vector<1x64xf32>
    %mul3A_36 = arith.mulf %add3A_34, %mul3A_35 : vector<1x64xf32>
    %floor3A = math.floor %mul3A_36 : vector<1x64xf32>
    %iota3A_37 = tpu.iota {dimensions = array<i32: 0>} : vector<64x64xi32>
    %iota3A_38 = tpu.iota {dimensions = array<i32: 1>} : vector<64x64xi32>
    %le3A = arith.cmpi sle, %iota3A_37, %iota3A_38 : vector<64x64xi32>
    %convert_element_type3A_39 = arith.extui %le3A : vector<64x64xi1> to vector<64x64xi32>
    %convert_element_type3A_40 = arith.sitofp %convert_element_type3A_39 : vector<64x64xi32> to vector<64x64xf32>
    %dot_general3A_41 = arith.constant dense<0.000000e+00> : vector<1x64xf32>
    %dot_general3A_42 = tpu.matmul %floor3A, %convert_element_type3A_40, %dot_general3A_41 {dimension_numbers = #tpu.dot_dimension_numbers<[1], [0], [0], [1], [0, 0, 1, 1], [], []>, transpose_lhs_hint = false} : vector<1x64xf32>, vector<64x64xf32>, vector<1x64xf32> -> vector<1x64xf32>
    %sub3A_43 = arith.subf %dot_general3A_42, %floor3A : vector<1x64xf32>
    %mul3A_44 = arith.constant 3.200000e+01 : f32
    %mul3A_45 = vector.broadcast %mul3A_44 : f32 to vector<1x64xf32>
    %mul3A_46 = arith.mulf %sub3A_43, %mul3A_45 : vector<1x64xf32>
    %iota3A_47 = tpu.iota {dimensions = array<i32: 0>} : vector<128x128xi32>
    %iota3A_48 = tpu.iota {dimensions = array<i32: 1>} : vector<128x128xi32>
    %le3A_49 = arith.cmpi sle, %iota3A_48, %iota3A_47 : vector<128x128xi32>
    %convert_element_type3A_50 = arith.extui %le3A_49 : vector<128x128xi1> to vector<128x128xi32>
    %convert_element_type3A_51 = arith.sitofp %convert_element_type3A_50 : vector<128x128xi32> to vector<128x128xf32>
    %broadcast_in_dim3A_52 = arith.constant 0.000000e+00 : f32
    %broadcast_in_dim3A_53 = vector.broadcast %broadcast_in_dim3A_52 : f32 to vector<1x64xf32>
    %slice3A_54 = vector.extract_strided_slice %convert_element_type3A_27 {offsets = [0, 0], sizes = [128, 64], strides = [1, 1]} : vector<2048x64xf32> to vector<128x64xf32>
    %dot_general3A_55 = arith.constant dense<0.000000e+00> : vector<128x64xf32>
    %dot_general3A_56 = tpu.matmul %convert_element_type3A_51, %slice3A_54, %dot_general3A_55 {dimension_numbers = #tpu.dot_dimension_numbers<[1], [0], [0], [1], [0, 0, 1, 1], [], []>, transpose_lhs_hint = false} : vector<128x128xf32>, vector<128x64xf32>, vector<128x64xf32> -> vector<128x64xf32>
    %add3A_57 = vector.broadcast %broadcast_in_dim3A_53 : vector<1x64xf32> to vector<128x64xf32>
    %add3A_58 = arith.addf %dot_general3A_56, %add3A_57 : vector<128x64xf32>
    %slice3A_59 = vector.extract_strided_slice %add3A_58 {offsets = [127, 0], sizes = [1, 64], strides = [1, 1]} : vector<128x64xf32> to vector<1x64xf32>
    %sub3A_60 = arith.constant 1.000000e+00 : f32
    %sub3A_61 = vector.broadcast %sub3A_60 : f32 to vector<128x64xf32>
    %sub3A_62 = arith.subf %add3A_58, %sub3A_61 : vector<128x64xf32>
    %add3A_63 = vector.broadcast %mul3A_46 : vector<1x64xf32> to vector<128x64xf32>
    %add3A_64 = arith.addf %sub3A_62, %add3A_63 : vector<128x64xf32>
    %mul3A_65 = arith.mulf %slice3A_54, %add3A_64 : vector<128x64xf32>
    %reduce_sum3A_66 = arith.constant dense<0.000000e+00> : vector<128xf32>
    %reduce_sum3A_67 = vector.multi_reduction <add>, %mul3A_65, %reduce_sum3A_66 [1] : vector<128x64xf32> to vector<128xf32>
    %broadcast_in_dim3A_68 = vector.shape_cast %reduce_sum3A_67 : vector<128xf32> to vector<128x1xf32>
    %convert_element_type3A_69 = arith.fptosi %broadcast_in_dim3A_68 : vector<128x1xf32> to vector<128x1xi32>
    %swap3A_70 = arith.constant 0 : index
    %swap3A_71 = arith.constant 0 : index
    %swap3A_72 = vector.load %arg3[%swap3A_70, %swap3A_71] : memref<2048x1xi32, #tpu.memory_space<vmem>>, vector<128x1xi32>
    tpu.vector_store %arg3[%swap3A_70, %swap3A_71], %convert_element_type3A_69 {strides = array<i32>} : memref<2048x1xi32, #tpu.memory_space<vmem>>, vector<128x1xi32>,
    %slice3A_73 = vector.extract_strided_slice %convert_element_type3A_27 {offsets = [128, 0], sizes = [128, 64], strides = [1, 1]} : vector<2048x64xf32> to vector<128x64xf32>
    %dot_general3A_74 = arith.constant dense<0.000000e+00> : vector<128x64xf32>
    %dot_general3A_75 = tpu.matmul %convert_element_type3A_51, %slice3A_73, %dot_general3A_74 {dimension_numbers = #tpu.dot_dimension_numbers<[1], [0], [0], [1], [0, 0, 1, 1], [], []>, transpose_lhs_hint = false} : vector<128x128xf32>, vector<128x64xf32>, vector<128x64xf32> -> vector<128x64xf32>
    %add3A_76 = vector.broadcast %slice3A_59 : vector<1x64xf32> to vector<128x64xf32>
    %add3A_77 = arith.addf %dot_general3A_75, %add3A_76 : vector<128x64xf32>
    %slice3A_78 = vector.extract_strided_slice %add3A_77 {offsets = [127, 0], sizes = [1, 64], strides = [1, 1]} : vector<128x64xf32> to vector<1x64xf32>
    %sub3A_79 = arith.constant 1.000000e+00 : f32
    %sub3A_80 = vector.broadcast %sub3A_79 : f32 to vector<128x64xf32>
    %sub3A_81 = arith.subf %add3A_77, %sub3A_80 : vector<128x64xf32>
    %add3A_82 = vector.broadcast %mul3A_46 : vector<1x64xf32> to vector<128x64xf32>
    %add3A_83 = arith.addf %sub3A_81, %add3A_82 : vector<128x64xf32>
    %mul3A_84 = arith.mulf %slice3A_73, %add3A_83 : vector<128x64xf32>
    %reduce_sum3A_85 = arith.constant dense<0.000000e+00> : vector<128xf32>
    %reduce_sum3A_86 = vector.multi_reduction <add>, %mul3A_84, %reduce_sum3A_85 [1] : vector<128x64xf32> to vector<128xf32>
    %broadcast_in_dim3A_87 = vector.shape_cast %reduce_sum3A_86 : vector<128xf32> to vector<128x1xf32>
    %convert_element_type3A_88 = arith.fptosi %broadcast_in_dim3A_87 : vector<128x1xf32> to vector<128x1xi32>
    %swap3A_89 = arith.constant 128 : index
    %swap3A_90 = arith.constant 0 : index
    %swap3A_91 = vector.load %arg3[%swap3A_89, %swap3A_90] : memref<2048x1xi32, #tpu.memory_space<vmem>>, vector<128x1xi32>
    tpu.vector_store %arg3[%swap3A_89, %swap3A_90], %convert_element_type3A_88 {strides = array<i32>} : memref<2048x1xi32, #tpu.memory_space<vmem>>, vector<128x1xi32>,
    %slice3A_92 = vector.extract_strided_slice %convert_element_type3A_27 {offsets = [256, 0], sizes = [128, 64], strides = [1, 1]} : vector<2048x64xf32> to vector<128x64xf32>
    %dot_general3A_93 = arith.constant dense<0.000000e+00> : vector<128x64xf32>
    %dot_general3A_94 = tpu.matmul %convert_element_type3A_51, %slice3A_92, %dot_general3A_93 {dimension_numbers = #tpu.dot_dimension_numbers<[1], [0], [0], [1], [0, 0, 1, 1], [], []>, transpose_lhs_hint = false} : vector<128x128xf32>, vector<128x64xf32>, vector<128x64xf32> -> vector<128x64xf32>
    %add3A_95 = vector.broadcast %slice3A_78 : vector<1x64xf32> to vector<128x64xf32>
    %add3A_96 = arith.addf %dot_general3A_94, %add3A_95 : vector<128x64xf32>
    %slice3A_97 = vector.extract_strided_slice %add3A_96 {offsets = [127, 0], sizes = [1, 64], strides = [1, 1]} : vector<128x64xf32> to vector<1x64xf32>
    %sub3A_98 = arith.constant 1.000000e+00 : f32
    %sub3A_99 = vector.broadcast %sub3A_98 : f32 to vector<128x64xf32>
    %sub3A_100 = arith.subf %add3A_96, %sub3A_99 : vector<128x64xf32>
    %add3A_101 = vector.broadcast %mul3A_46 : vector<1x64xf32> to vector<128x64xf32>
    %add3A_102 = arith.addf %sub3A_100, %add3A_101 : vector<128x64xf32>
    %mul3A_103 = arith.mulf %slice3A_92, %add3A_102 : vector<128x64xf32>
    %reduce_sum3A_104 = arith.constant dense<0.000000e+00> : vector<128xf32>
    %reduce_sum3A_105 = vector.multi_reduction <add>, %mul3A_103, %reduce_sum3A_104 [1] : vector<128x64xf32> to vector<128xf32>
    %broadcast_in_dim3A_106 = vector.shape_cast %reduce_sum3A_105 : vector<128xf32> to vector<128x1xf32>
    %convert_element_type3A_107 = arith.fptosi %broadcast_in_dim3A_106 : vector<128x1xf32> to vector<128x1xi32>
    %swap3A_108 = arith.constant 256 : index
    %swap3A_109 = arith.constant 0 : index
    %swap3A_110 = vector.load %arg3[%swap3A_108, %swap3A_109] : memref<2048x1xi32, #tpu.memory_space<vmem>>, vector<128x1xi32>
    tpu.vector_store %arg3[%swap3A_108, %swap3A_109], %convert_element_type3A_107 {strides = array<i32>} : memref<2048x1xi32, #tpu.memory_space<vmem>>, vector<128x1xi32>,
    %slice3A_111 = vector.extract_strided_slice %convert_element_type3A_27 {offsets = [384, 0], sizes = [128, 64], strides = [1, 1]} : vector<2048x64xf32> to vector<128x64xf32>
    %dot_general3A_112 = arith.constant dense<0.000000e+00> : vector<128x64xf32>
    %dot_general3A_113 = tpu.matmul %convert_element_type3A_51, %slice3A_111, %dot_general3A_112 {dimension_numbers = #tpu.dot_dimension_numbers<[1], [0], [0], [1], [0, 0, 1, 1], [], []>, transpose_lhs_hint = false} : vector<128x128xf32>, vector<128x64xf32>, vector<128x64xf32> -> vector<128x64xf32>
    %add3A_114 = vector.broadcast %slice3A_97 : vector<1x64xf32> to vector<128x64xf32>
    %add3A_115 = arith.addf %dot_general3A_113, %add3A_114 : vector<128x64xf32>
    %slice3A_116 = vector.extract_strided_slice %add3A_115 {offsets = [127, 0], sizes = [1, 64], strides = [1, 1]} : vector<128x64xf32> to vector<1x64xf32>
    %sub3A_117 = arith.constant 1.000000e+00 : f32
    %sub3A_118 = vector.broadcast %sub3A_117 : f32 to vector<128x64xf32>
    %sub3A_119 = arith.subf %add3A_115, %sub3A_118 : vector<128x64xf32>
    %add3A_120 = vector.broadcast %mul3A_46 : vector<1x64xf32> to vector<128x64xf32>
    %add3A_121 = arith.addf %sub3A_119, %add3A_120 : vector<128x64xf32>
    %mul3A_122 = arith.mulf %slice3A_111, %add3A_121 : vector<128x64xf32>
    %reduce_sum3A_123 = arith.constant dense<0.000000e+00> : vector<128xf32>
    %reduce_sum3A_124 = vector.multi_reduction <add>, %mul3A_122, %reduce_sum3A_123 [1] : vector<128x64xf32> to vector<128xf32>
    %broadcast_in_dim3A_125 = vector.shape_cast %reduce_sum3A_124 : vector<128xf32> to vector<128x1xf32>
    %convert_element_type3A_126 = arith.fptosi %broadcast_in_dim3A_125 : vector<128x1xf32> to vector<128x1xi32>
    %swap3A_127 = arith.constant 384 : index
    %swap3A_128 = arith.constant 0 : index
    %swap3A_129 = vector.load %arg3[%swap3A_127, %swap3A_128] : memref<2048x1xi32, #tpu.memory_space<vmem>>, vector<128x1xi32>
    tpu.vector_store %arg3[%swap3A_127, %swap3A_128], %convert_element_type3A_126 {strides = array<i32>} : memref<2048x1xi32, #tpu.memory_space<vmem>>, vector<128x1xi32>,
    %slice3A_130 = vector.extract_strided_slice %convert_element_type3A_27 {offsets = [512, 0], sizes = [128, 64], strides = [1, 1]} : vector<2048x64xf32> to vector<128x64xf32>
    %dot_general3A_131 = arith.constant dense<0.000000e+00> : vector<128x64xf32>
    %dot_general3A_132 = tpu.matmul %convert_element_type3A_51, %slice3A_130, %dot_general3A_131 {dimension_numbers = #tpu.dot_dimension_numbers<[1], [0], [0], [1], [0, 0, 1, 1], [], []>, transpose_lhs_hint = false} : vector<128x128xf32>, vector<128x64xf32>, vector<128x64xf32> -> vector<128x64xf32>
    %add3A_133 = vector.broadcast %slice3A_116 : vector<1x64xf32> to vector<128x64xf32>
    %add3A_134 = arith.addf %dot_general3A_132, %add3A_133 : vector<128x64xf32>
    %slice3A_135 = vector.extract_strided_slice %add3A_134 {offsets = [127, 0], sizes = [1, 64], strides = [1, 1]} : vector<128x64xf32> to vector<1x64xf32>
    %sub3A_136 = arith.constant 1.000000e+00 : f32
    %sub3A_137 = vector.broadcast %sub3A_136 : f32 to vector<128x64xf32>
    %sub3A_138 = arith.subf %add3A_134, %sub3A_137 : vector<128x64xf32>
    %add3A_139 = vector.broadcast %mul3A_46 : vector<1x64xf32> to vector<128x64xf32>
    %add3A_140 = arith.addf %sub3A_138, %add3A_139 : vector<128x64xf32>
    %mul3A_141 = arith.mulf %slice3A_130, %add3A_140 : vector<128x64xf32>
    %reduce_sum3A_142 = arith.constant dense<0.000000e+00> : vector<128xf32>
    %reduce_sum3A_143 = vector.multi_reduction <add>, %mul3A_141, %reduce_sum3A_142 [1] : vector<128x64xf32> to vector<128xf32>
    %broadcast_in_dim3A_144 = vector.shape_cast %reduce_sum3A_143 : vector<128xf32> to vector<128x1xf32>
    %convert_element_type3A_145 = arith.fptosi %broadcast_in_dim3A_144 : vector<128x1xf32> to vector<128x1xi32>
    %swap3A_146 = arith.constant 512 : index
    %swap3A_147 = arith.constant 0 : index
    %swap3A_148 = vector.load %arg3[%swap3A_146, %swap3A_147] : memref<2048x1xi32, #tpu.memory_space<vmem>>, vector<128x1xi32>
    tpu.vector_store %arg3[%swap3A_146, %swap3A_147], %convert_element_type3A_145 {strides = array<i32>} : memref<2048x1xi32, #tpu.memory_space<vmem>>, vector<128x1xi32>,
    %slice3A_149 = vector.extract_strided_slice %convert_element_type3A_27 {offsets = [640, 0], sizes = [128, 64], strides = [1, 1]} : vector<2048x64xf32> to vector<128x64xf32>
    %dot_general3A_150 = arith.constant dense<0.000000e+00> : vector<128x64xf32>
    %dot_general3A_151 = tpu.matmul %convert_element_type3A_51, %slice3A_149, %dot_general3A_150 {dimension_numbers = #tpu.dot_dimension_numbers<[1], [0], [0], [1], [0, 0, 1, 1], [], []>, transpose_lhs_hint = false} : vector<128x128xf32>, vector<128x64xf32>, vector<128x64xf32> -> vector<128x64xf32>
    %add3A_152 = vector.broadcast %slice3A_135 : vector<1x64xf32> to vector<128x64xf32>
    %add3A_153 = arith.addf %dot_general3A_151, %add3A_152 : vector<128x64xf32>
    %slice3A_154 = vector.extract_strided_slice %add3A_153 {offsets = [127, 0], sizes = [1, 64], strides = [1, 1]} : vector<128x64xf32> to vector<1x64xf32>
    %sub3A_155 = arith.constant 1.000000e+00 : f32
    %sub3A_156 = vector.broadcast %sub3A_155 : f32 to vector<128x64xf32>
    %sub3A_157 = arith.subf %add3A_153, %sub3A_156 : vector<128x64xf32>
    %add3A_158 = vector.broadcast %mul3A_46 : vector<1x64xf32> to vector<128x64xf32>
    %add3A_159 = arith.addf %sub3A_157, %add3A_158 : vector<128x64xf32>
    %mul3A_160 = arith.mulf %slice3A_149, %add3A_159 : vector<128x64xf32>
    %reduce_sum3A_161 = arith.constant dense<0.000000e+00> : vector<128xf32>
    %reduce_sum3A_162 = vector.multi_reduction <add>, %mul3A_160, %reduce_sum3A_161 [1] : vector<128x64xf32> to vector<128xf32>
    %broadcast_in_dim3A_163 = vector.shape_cast %reduce_sum3A_162 : vector<128xf32> to vector<128x1xf32>
    %convert_element_type3A_164 = arith.fptosi %broadcast_in_dim3A_163 : vector<128x1xf32> to vector<128x1xi32>
    %swap3A_165 = arith.constant 640 : index
    %swap3A_166 = arith.constant 0 : index
    %swap3A_167 = vector.load %arg3[%swap3A_165, %swap3A_166] : memref<2048x1xi32, #tpu.memory_space<vmem>>, vector<128x1xi32>
    tpu.vector_store %arg3[%swap3A_165, %swap3A_166], %convert_element_type3A_164 {strides = array<i32>} : memref<2048x1xi32, #tpu.memory_space<vmem>>, vector<128x1xi32>,
    %slice3A_168 = vector.extract_strided_slice %convert_element_type3A_27 {offsets = [768, 0], sizes = [128, 64], strides = [1, 1]} : vector<2048x64xf32> to vector<128x64xf32>
    %dot_general3A_169 = arith.constant dense<0.000000e+00> : vector<128x64xf32>
    %dot_general3A_170 = tpu.matmul %convert_element_type3A_51, %slice3A_168, %dot_general3A_169 {dimension_numbers = #tpu.dot_dimension_numbers<[1], [0], [0], [1], [0, 0, 1, 1], [], []>, transpose_lhs_hint = false} : vector<128x128xf32>, vector<128x64xf32>, vector<128x64xf32> -> vector<128x64xf32>
    %add3A_171 = vector.broadcast %slice3A_154 : vector<1x64xf32> to vector<128x64xf32>
    %add3A_172 = arith.addf %dot_general3A_170, %add3A_171 : vector<128x64xf32>
    %slice3A_173 = vector.extract_strided_slice %add3A_172 {offsets = [127, 0], sizes = [1, 64], strides = [1, 1]} : vector<128x64xf32> to vector<1x64xf32>
    %sub3A_174 = arith.constant 1.000000e+00 : f32
    %sub3A_175 = vector.broadcast %sub3A_174 : f32 to vector<128x64xf32>
    %sub3A_176 = arith.subf %add3A_172, %sub3A_175 : vector<128x64xf32>
    %add3A_177 = vector.broadcast %mul3A_46 : vector<1x64xf32> to vector<128x64xf32>
    %add3A_178 = arith.addf %sub3A_176, %add3A_177 : vector<128x64xf32>
    %mul3A_179 = arith.mulf %slice3A_168, %add3A_178 : vector<128x64xf32>
    %reduce_sum3A_180 = arith.constant dense<0.000000e+00> : vector<128xf32>
    %reduce_sum3A_181 = vector.multi_reduction <add>, %mul3A_179, %reduce_sum3A_180 [1] : vector<128x64xf32> to vector<128xf32>
    %broadcast_in_dim3A_182 = vector.shape_cast %reduce_sum3A_181 : vector<128xf32> to vector<128x1xf32>
    %convert_element_type3A_183 = arith.fptosi %broadcast_in_dim3A_182 : vector<128x1xf32> to vector<128x1xi32>
    %swap3A_184 = arith.constant 768 : index
    %swap3A_185 = arith.constant 0 : index
    %swap3A_186 = vector.load %arg3[%swap3A_184, %swap3A_185] : memref<2048x1xi32, #tpu.memory_space<vmem>>, vector<128x1xi32>
    tpu.vector_store %arg3[%swap3A_184, %swap3A_185], %convert_element_type3A_183 {strides = array<i32>} : memref<2048x1xi32, #tpu.memory_space<vmem>>, vector<128x1xi32>,
    %slice3A_187 = vector.extract_strided_slice %convert_element_type3A_27 {offsets = [896, 0], sizes = [128, 64], strides = [1, 1]} : vector<2048x64xf32> to vector<128x64xf32>
    %dot_general3A_188 = arith.constant dense<0.000000e+00> : vector<128x64xf32>
    %dot_general3A_189 = tpu.matmul %convert_element_type3A_51, %slice3A_187, %dot_general3A_188 {dimension_numbers = #tpu.dot_dimension_numbers<[1], [0], [0], [1], [0, 0, 1, 1], [], []>, transpose_lhs_hint = false} : vector<128x128xf32>, vector<128x64xf32>, vector<128x64xf32> -> vector<128x64xf32>
    %add3A_190 = vector.broadcast %slice3A_173 : vector<1x64xf32> to vector<128x64xf32>
    %add3A_191 = arith.addf %dot_general3A_189, %add3A_190 : vector<128x64xf32>
    %slice3A_192 = vector.extract_strided_slice %add3A_191 {offsets = [127, 0], sizes = [1, 64], strides = [1, 1]} : vector<128x64xf32> to vector<1x64xf32>
    %sub3A_193 = arith.constant 1.000000e+00 : f32
    %sub3A_194 = vector.broadcast %sub3A_193 : f32 to vector<128x64xf32>
    %sub3A_195 = arith.subf %add3A_191, %sub3A_194 : vector<128x64xf32>
    %add3A_196 = vector.broadcast %mul3A_46 : vector<1x64xf32> to vector<128x64xf32>
    %add3A_197 = arith.addf %sub3A_195, %add3A_196 : vector<128x64xf32>
    %mul3A_198 = arith.mulf %slice3A_187, %add3A_197 : vector<128x64xf32>
    %reduce_sum3A_199 = arith.constant dense<0.000000e+00> : vector<128xf32>
    %reduce_sum3A_200 = vector.multi_reduction <add>, %mul3A_198, %reduce_sum3A_199 [1] : vector<128x64xf32> to vector<128xf32>
    %broadcast_in_dim3A_201 = vector.shape_cast %reduce_sum3A_200 : vector<128xf32> to vector<128x1xf32>
    %convert_element_type3A_202 = arith.fptosi %broadcast_in_dim3A_201 : vector<128x1xf32> to vector<128x1xi32>
    %swap3A_203 = arith.constant 896 : index
    %swap3A_204 = arith.constant 0 : index
    %swap3A_205 = vector.load %arg3[%swap3A_203, %swap3A_204] : memref<2048x1xi32, #tpu.memory_space<vmem>>, vector<128x1xi32>
    tpu.vector_store %arg3[%swap3A_203, %swap3A_204], %convert_element_type3A_202 {strides = array<i32>} : memref<2048x1xi32, #tpu.memory_space<vmem>>, vector<128x1xi32>,
    %slice3A_206 = vector.extract_strided_slice %convert_element_type3A_27 {offsets = [1024, 0], sizes = [128, 64], strides = [1, 1]} : vector<2048x64xf32> to vector<128x64xf32>
    %dot_general3A_207 = arith.constant dense<0.000000e+00> : vector<128x64xf32>
    %dot_general3A_208 = tpu.matmul %convert_element_type3A_51, %slice3A_206, %dot_general3A_207 {dimension_numbers = #tpu.dot_dimension_numbers<[1], [0], [0], [1], [0, 0, 1, 1], [], []>, transpose_lhs_hint = false} : vector<128x128xf32>, vector<128x64xf32>, vector<128x64xf32> -> vector<128x64xf32>
    %add3A_209 = vector.broadcast %slice3A_192 : vector<1x64xf32> to vector<128x64xf32>
    %add3A_210 = arith.addf %dot_general3A_208, %add3A_209 : vector<128x64xf32>
    %slice3A_211 = vector.extract_strided_slice %add3A_210 {offsets = [127, 0], sizes = [1, 64], strides = [1, 1]} : vector<128x64xf32> to vector<1x64xf32>
    %sub3A_212 = arith.constant 1.000000e+00 : f32
    %sub3A_213 = vector.broadcast %sub3A_212 : f32 to vector<128x64xf32>
    %sub3A_214 = arith.subf %add3A_210, %sub3A_213 : vector<128x64xf32>
    %add3A_215 = vector.broadcast %mul3A_46 : vector<1x64xf32> to vector<128x64xf32>
    %add3A_216 = arith.addf %sub3A_214, %add3A_215 : vector<128x64xf32>
    %mul3A_217 = arith.mulf %slice3A_206, %add3A_216 : vector<128x64xf32>
    %reduce_sum3A_218 = arith.constant dense<0.000000e+00> : vector<128xf32>
    %reduce_sum3A_219 = vector.multi_reduction <add>, %mul3A_217, %reduce_sum3A_218 [1] : vector<128x64xf32> to vector<128xf32>
    %broadcast_in_dim3A_220 = vector.shape_cast %reduce_sum3A_219 : vector<128xf32> to vector<128x1xf32>
    %convert_element_type3A_221 = arith.fptosi %broadcast_in_dim3A_220 : vector<128x1xf32> to vector<128x1xi32>
    %swap3A_222 = arith.constant 1024 : index
    %swap3A_223 = arith.constant 0 : index
    %swap3A_224 = vector.load %arg3[%swap3A_222, %swap3A_223] : memref<2048x1xi32, #tpu.memory_space<vmem>>, vector<128x1xi32>
    tpu.vector_store %arg3[%swap3A_222, %swap3A_223], %convert_element_type3A_221 {strides = array<i32>} : memref<2048x1xi32, #tpu.memory_space<vmem>>, vector<128x1xi32>,
    %slice3A_225 = vector.extract_strided_slice %convert_element_type3A_27 {offsets = [1152, 0], sizes = [128, 64], strides = [1, 1]} : vector<2048x64xf32> to vector<128x64xf32>
    %dot_general3A_226 = arith.constant dense<0.000000e+00> : vector<128x64xf32>
    %dot_general3A_227 = tpu.matmul %convert_element_type3A_51, %slice3A_225, %dot_general3A_226 {dimension_numbers = #tpu.dot_dimension_numbers<[1], [0], [0], [1], [0, 0, 1, 1], [], []>, transpose_lhs_hint = false} : vector<128x128xf32>, vector<128x64xf32>, vector<128x64xf32> -> vector<128x64xf32>
    %add3A_228 = vector.broadcast %slice3A_211 : vector<1x64xf32> to vector<128x64xf32>
    %add3A_229 = arith.addf %dot_general3A_227, %add3A_228 : vector<128x64xf32>
    %slice3A_230 = vector.extract_strided_slice %add3A_229 {offsets = [127, 0], sizes = [1, 64], strides = [1, 1]} : vector<128x64xf32> to vector<1x64xf32>
    %sub3A_231 = arith.constant 1.000000e+00 : f32
    %sub3A_232 = vector.broadcast %sub3A_231 : f32 to vector<128x64xf32>
    %sub3A_233 = arith.subf %add3A_229, %sub3A_232 : vector<128x64xf32>
    %add3A_234 = vector.broadcast %mul3A_46 : vector<1x64xf32> to vector<128x64xf32>
    %add3A_235 = arith.addf %sub3A_233, %add3A_234 : vector<128x64xf32>
    %mul3A_236 = arith.mulf %slice3A_225, %add3A_235 : vector<128x64xf32>
    %reduce_sum3A_237 = arith.constant dense<0.000000e+00> : vector<128xf32>
    %reduce_sum3A_238 = vector.multi_reduction <add>, %mul3A_236, %reduce_sum3A_237 [1] : vector<128x64xf32> to vector<128xf32>
    %broadcast_in_dim3A_239 = vector.shape_cast %reduce_sum3A_238 : vector<128xf32> to vector<128x1xf32>
    %convert_element_type3A_240 = arith.fptosi %broadcast_in_dim3A_239 : vector<128x1xf32> to vector<128x1xi32>
    %swap3A_241 = arith.constant 1152 : index
    %swap3A_242 = arith.constant 0 : index
    %swap3A_243 = vector.load %arg3[%swap3A_241, %swap3A_242] : memref<2048x1xi32, #tpu.memory_space<vmem>>, vector<128x1xi32>
    tpu.vector_store %arg3[%swap3A_241, %swap3A_242], %convert_element_type3A_240 {strides = array<i32>} : memref<2048x1xi32, #tpu.memory_space<vmem>>, vector<128x1xi32>,
    %slice3A_244 = vector.extract_strided_slice %convert_element_type3A_27 {offsets = [1280, 0], sizes = [128, 64], strides = [1, 1]} : vector<2048x64xf32> to vector<128x64xf32>
    %dot_general3A_245 = arith.constant dense<0.000000e+00> : vector<128x64xf32>
    %dot_general3A_246 = tpu.matmul %convert_element_type3A_51, %slice3A_244, %dot_general3A_245 {dimension_numbers = #tpu.dot_dimension_numbers<[1], [0], [0], [1], [0, 0, 1, 1], [], []>, transpose_lhs_hint = false} : vector<128x128xf32>, vector<128x64xf32>, vector<128x64xf32> -> vector<128x64xf32>
    %add3A_247 = vector.broadcast %slice3A_230 : vector<1x64xf32> to vector<128x64xf32>
    %add3A_248 = arith.addf %dot_general3A_246, %add3A_247 : vector<128x64xf32>
    %slice3A_249 = vector.extract_strided_slice %add3A_248 {offsets = [127, 0], sizes = [1, 64], strides = [1, 1]} : vector<128x64xf32> to vector<1x64xf32>
    %sub3A_250 = arith.constant 1.000000e+00 : f32
    %sub3A_251 = vector.broadcast %sub3A_250 : f32 to vector<128x64xf32>
    %sub3A_252 = arith.subf %add3A_248, %sub3A_251 : vector<128x64xf32>
    %add3A_253 = vector.broadcast %mul3A_46 : vector<1x64xf32> to vector<128x64xf32>
    %add3A_254 = arith.addf %sub3A_252, %add3A_253 : vector<128x64xf32>
    %mul3A_255 = arith.mulf %slice3A_244, %add3A_254 : vector<128x64xf32>
    %reduce_sum3A_256 = arith.constant dense<0.000000e+00> : vector<128xf32>
    %reduce_sum3A_257 = vector.multi_reduction <add>, %mul3A_255, %reduce_sum3A_256 [1] : vector<128x64xf32> to vector<128xf32>
    %broadcast_in_dim3A_258 = vector.shape_cast %reduce_sum3A_257 : vector<128xf32> to vector<128x1xf32>
    %convert_element_type3A_259 = arith.fptosi %broadcast_in_dim3A_258 : vector<128x1xf32> to vector<128x1xi32>
    %swap3A_260 = arith.constant 1280 : index
    %swap3A_261 = arith.constant 0 : index
    %swap3A_262 = vector.load %arg3[%swap3A_260, %swap3A_261] : memref<2048x1xi32, #tpu.memory_space<vmem>>, vector<128x1xi32>
    tpu.vector_store %arg3[%swap3A_260, %swap3A_261], %convert_element_type3A_259 {strides = array<i32>} : memref<2048x1xi32, #tpu.memory_space<vmem>>, vector<128x1xi32>,
    %slice3A_263 = vector.extract_strided_slice %convert_element_type3A_27 {offsets = [1408, 0], sizes = [128, 64], strides = [1, 1]} : vector<2048x64xf32> to vector<128x64xf32>
    %dot_general3A_264 = arith.constant dense<0.000000e+00> : vector<128x64xf32>
    %dot_general3A_265 = tpu.matmul %convert_element_type3A_51, %slice3A_263, %dot_general3A_264 {dimension_numbers = #tpu.dot_dimension_numbers<[1], [0], [0], [1], [0, 0, 1, 1], [], []>, transpose_lhs_hint = false} : vector<128x128xf32>, vector<128x64xf32>, vector<128x64xf32> -> vector<128x64xf32>
    %add3A_266 = vector.broadcast %slice3A_249 : vector<1x64xf32> to vector<128x64xf32>
    %add3A_267 = arith.addf %dot_general3A_265, %add3A_266 : vector<128x64xf32>
    %slice3A_268 = vector.extract_strided_slice %add3A_267 {offsets = [127, 0], sizes = [1, 64], strides = [1, 1]} : vector<128x64xf32> to vector<1x64xf32>
    %sub3A_269 = arith.constant 1.000000e+00 : f32
    %sub3A_270 = vector.broadcast %sub3A_269 : f32 to vector<128x64xf32>
    %sub3A_271 = arith.subf %add3A_267, %sub3A_270 : vector<128x64xf32>
    %add3A_272 = vector.broadcast %mul3A_46 : vector<1x64xf32> to vector<128x64xf32>
    %add3A_273 = arith.addf %sub3A_271, %add3A_272 : vector<128x64xf32>
    %mul3A_274 = arith.mulf %slice3A_263, %add3A_273 : vector<128x64xf32>
    %reduce_sum3A_275 = arith.constant dense<0.000000e+00> : vector<128xf32>
    %reduce_sum3A_276 = vector.multi_reduction <add>, %mul3A_274, %reduce_sum3A_275 [1] : vector<128x64xf32> to vector<128xf32>
    %broadcast_in_dim3A_277 = vector.shape_cast %reduce_sum3A_276 : vector<128xf32> to vector<128x1xf32>
    %convert_element_type3A_278 = arith.fptosi %broadcast_in_dim3A_277 : vector<128x1xf32> to vector<128x1xi32>
    %swap3A_279 = arith.constant 1408 : index
    %swap3A_280 = arith.constant 0 : index
    %swap3A_281 = vector.load %arg3[%swap3A_279, %swap3A_280] : memref<2048x1xi32, #tpu.memory_space<vmem>>, vector<128x1xi32>
    tpu.vector_store %arg3[%swap3A_279, %swap3A_280], %convert_element_type3A_278 {strides = array<i32>} : memref<2048x1xi32, #tpu.memory_space<vmem>>, vector<128x1xi32>,
    %slice3A_282 = vector.extract_strided_slice %convert_element_type3A_27 {offsets = [1536, 0], sizes = [128, 64], strides = [1, 1]} : vector<2048x64xf32> to vector<128x64xf32>
    %dot_general3A_283 = arith.constant dense<0.000000e+00> : vector<128x64xf32>
    %dot_general3A_284 = tpu.matmul %convert_element_type3A_51, %slice3A_282, %dot_general3A_283 {dimension_numbers = #tpu.dot_dimension_numbers<[1], [0], [0], [1], [0, 0, 1, 1], [], []>, transpose_lhs_hint = false} : vector<128x128xf32>, vector<128x64xf32>, vector<128x64xf32> -> vector<128x64xf32>
    %add3A_285 = vector.broadcast %slice3A_268 : vector<1x64xf32> to vector<128x64xf32>
    %add3A_286 = arith.addf %dot_general3A_284, %add3A_285 : vector<128x64xf32>
    %slice3A_287 = vector.extract_strided_slice %add3A_286 {offsets = [127, 0], sizes = [1, 64], strides = [1, 1]} : vector<128x64xf32> to vector<1x64xf32>
    %sub3A_288 = arith.constant 1.000000e+00 : f32
    %sub3A_289 = vector.broadcast %sub3A_288 : f32 to vector<128x64xf32>
    %sub3A_290 = arith.subf %add3A_286, %sub3A_289 : vector<128x64xf32>
    %add3A_291 = vector.broadcast %mul3A_46 : vector<1x64xf32> to vector<128x64xf32>
    %add3A_292 = arith.addf %sub3A_290, %add3A_291 : vector<128x64xf32>
    %mul3A_293 = arith.mulf %slice3A_282, %add3A_292 : vector<128x64xf32>
    %reduce_sum3A_294 = arith.constant dense<0.000000e+00> : vector<128xf32>
    %reduce_sum3A_295 = vector.multi_reduction <add>, %mul3A_293, %reduce_sum3A_294 [1] : vector<128x64xf32> to vector<128xf32>
    %broadcast_in_dim3A_296 = vector.shape_cast %reduce_sum3A_295 : vector<128xf32> to vector<128x1xf32>
    %convert_element_type3A_297 = arith.fptosi %broadcast_in_dim3A_296 : vector<128x1xf32> to vector<128x1xi32>
    %swap3A_298 = arith.constant 1536 : index
    %swap3A_299 = arith.constant 0 : index
    %swap3A_300 = vector.load %arg3[%swap3A_298, %swap3A_299] : memref<2048x1xi32, #tpu.memory_space<vmem>>, vector<128x1xi32>
    tpu.vector_store %arg3[%swap3A_298, %swap3A_299], %convert_element_type3A_297 {strides = array<i32>} : memref<2048x1xi32, #tpu.memory_space<vmem>>, vector<128x1xi32>,
    %slice3A_301 = vector.extract_strided_slice %convert_element_type3A_27 {offsets = [1664, 0], sizes = [128, 64], strides = [1, 1]} : vector<2048x64xf32> to vector<128x64xf32>
    %dot_general3A_302 = arith.constant dense<0.000000e+00> : vector<128x64xf32>
    %dot_general3A_303 = tpu.matmul %convert_element_type3A_51, %slice3A_301, %dot_general3A_302 {dimension_numbers = #tpu.dot_dimension_numbers<[1], [0], [0], [1], [0, 0, 1, 1], [], []>, transpose_lhs_hint = false} : vector<128x128xf32>, vector<128x64xf32>, vector<128x64xf32> -> vector<128x64xf32>
    %add3A_304 = vector.broadcast %slice3A_287 : vector<1x64xf32> to vector<128x64xf32>
    %add3A_305 = arith.addf %dot_general3A_303, %add3A_304 : vector<128x64xf32>
    %slice3A_306 = vector.extract_strided_slice %add3A_305 {offsets = [127, 0], sizes = [1, 64], strides = [1, 1]} : vector<128x64xf32> to vector<1x64xf32>
    %sub3A_307 = arith.constant 1.000000e+00 : f32
    %sub3A_308 = vector.broadcast %sub3A_307 : f32 to vector<128x64xf32>
    %sub3A_309 = arith.subf %add3A_305, %sub3A_308 : vector<128x64xf32>
    %add3A_310 = vector.broadcast %mul3A_46 : vector<1x64xf32> to vector<128x64xf32>
    %add3A_311 = arith.addf %sub3A_309, %add3A_310 : vector<128x64xf32>
    %mul3A_312 = arith.mulf %slice3A_301, %add3A_311 : vector<128x64xf32>
    %reduce_sum3A_313 = arith.constant dense<0.000000e+00> : vector<128xf32>
    %reduce_sum3A_314 = vector.multi_reduction <add>, %mul3A_312, %reduce_sum3A_313 [1] : vector<128x64xf32> to vector<128xf32>
    %broadcast_in_dim3A_315 = vector.shape_cast %reduce_sum3A_314 : vector<128xf32> to vector<128x1xf32>
    %convert_element_type3A_316 = arith.fptosi %broadcast_in_dim3A_315 : vector<128x1xf32> to vector<128x1xi32>
    %swap3A_317 = arith.constant 1664 : index
    %swap3A_318 = arith.constant 0 : index
    %swap3A_319 = vector.load %arg3[%swap3A_317, %swap3A_318] : memref<2048x1xi32, #tpu.memory_space<vmem>>, vector<128x1xi32>
    tpu.vector_store %arg3[%swap3A_317, %swap3A_318], %convert_element_type3A_316 {strides = array<i32>} : memref<2048x1xi32, #tpu.memory_space<vmem>>, vector<128x1xi32>,
    %slice3A_320 = vector.extract_strided_slice %convert_element_type3A_27 {offsets = [1792, 0], sizes = [128, 64], strides = [1, 1]} : vector<2048x64xf32> to vector<128x64xf32>
    %dot_general3A_321 = arith.constant dense<0.000000e+00> : vector<128x64xf32>
    %dot_general3A_322 = tpu.matmul %convert_element_type3A_51, %slice3A_320, %dot_general3A_321 {dimension_numbers = #tpu.dot_dimension_numbers<[1], [0], [0], [1], [0, 0, 1, 1], [], []>, transpose_lhs_hint = false} : vector<128x128xf32>, vector<128x64xf32>, vector<128x64xf32> -> vector<128x64xf32>
    %add3A_323 = vector.broadcast %slice3A_306 : vector<1x64xf32> to vector<128x64xf32>
    %add3A_324 = arith.addf %dot_general3A_322, %add3A_323 : vector<128x64xf32>
    %slice3A_325 = vector.extract_strided_slice %add3A_324 {offsets = [127, 0], sizes = [1, 64], strides = [1, 1]} : vector<128x64xf32> to vector<1x64xf32>
    %sub3A_326 = arith.constant 1.000000e+00 : f32
    %sub3A_327 = vector.broadcast %sub3A_326 : f32 to vector<128x64xf32>
    %sub3A_328 = arith.subf %add3A_324, %sub3A_327 : vector<128x64xf32>
    %add3A_329 = vector.broadcast %mul3A_46 : vector<1x64xf32> to vector<128x64xf32>
    %add3A_330 = arith.addf %sub3A_328, %add3A_329 : vector<128x64xf32>
    %mul3A_331 = arith.mulf %slice3A_320, %add3A_330 : vector<128x64xf32>
    %reduce_sum3A_332 = arith.constant dense<0.000000e+00> : vector<128xf32>
    %reduce_sum3A_333 = vector.multi_reduction <add>, %mul3A_331, %reduce_sum3A_332 [1] : vector<128x64xf32> to vector<128xf32>
    %broadcast_in_dim3A_334 = vector.shape_cast %reduce_sum3A_333 : vector<128xf32> to vector<128x1xf32>
    %convert_element_type3A_335 = arith.fptosi %broadcast_in_dim3A_334 : vector<128x1xf32> to vector<128x1xi32>
    %swap3A_336 = arith.constant 1792 : index
    %swap3A_337 = arith.constant 0 : index
    %swap3A_338 = vector.load %arg3[%swap3A_336, %swap3A_337] : memref<2048x1xi32, #tpu.memory_space<vmem>>, vector<128x1xi32>
    tpu.vector_store %arg3[%swap3A_336, %swap3A_337], %convert_element_type3A_335 {strides = array<i32>} : memref<2048x1xi32, #tpu.memory_space<vmem>>, vector<128x1xi32>,
    %slice3A_339 = vector.extract_strided_slice %convert_element_type3A_27 {offsets = [1920, 0], sizes = [128, 64], strides = [1, 1]} : vector<2048x64xf32> to vector<128x64xf32>
    %dot_general3A_340 = arith.constant dense<0.000000e+00> : vector<128x64xf32>
    %dot_general3A_341 = tpu.matmul %convert_element_type3A_51, %slice3A_339, %dot_general3A_340 {dimension_numbers = #tpu.dot_dimension_numbers<[1], [0], [0], [1], [0, 0, 1, 1], [], []>, transpose_lhs_hint = false} : vector<128x128xf32>, vector<128x64xf32>, vector<128x64xf32> -> vector<128x64xf32>
    %add3A_342 = vector.broadcast %slice3A_325 : vector<1x64xf32> to vector<128x64xf32>
    %add3A_343 = arith.addf %dot_general3A_341, %add3A_342 : vector<128x64xf32>
    %sub3A_344 = arith.constant 1.000000e+00 : f32
    %sub3A_345 = vector.broadcast %sub3A_344 : f32 to vector<128x64xf32>
    %sub3A_346 = arith.subf %add3A_343, %sub3A_345 : vector<128x64xf32>
    %add3A_347 = vector.broadcast %mul3A_46 : vector<1x64xf32> to vector<128x64xf32>
    %add3A_348 = arith.addf %sub3A_346, %add3A_347 : vector<128x64xf32>
    %mul3A_349 = arith.mulf %slice3A_339, %add3A_348 : vector<128x64xf32>
    %reduce_sum3A_350 = arith.constant dense<0.000000e+00> : vector<128xf32>
    %reduce_sum3A_351 = vector.multi_reduction <add>, %mul3A_349, %reduce_sum3A_350 [1] : vector<128x64xf32> to vector<128xf32>
    %broadcast_in_dim3A_352 = vector.shape_cast %reduce_sum3A_351 : vector<128xf32> to vector<128x1xf32>
    %convert_element_type3A_353 = arith.fptosi %broadcast_in_dim3A_352 : vector<128x1xf32> to vector<128x1xi32>
    %swap3A_354 = arith.constant 1920 : index
    %swap3A_355 = arith.constant 0 : index
    %swap3A_356 = vector.load %arg3[%swap3A_354, %swap3A_355] : memref<2048x1xi32, #tpu.memory_space<vmem>>, vector<128x1xi32>
    tpu.vector_store %arg3[%swap3A_354, %swap3A_355], %convert_element_type3A_353 {strides = array<i32>} : memref<2048x1xi32, #tpu.memory_space<vmem>>, vector<128x1xi32>,
    %iota3A_357 = tpu.iota {dimensions = array<i32: 0>} : vector<129x64xi32>
    %convert_element_type3A_358 = arith.sitofp %iota3A_357 : vector<129x64xi32> to vector<129x64xf32>
    %broadcast_in_dim3A_359 = vector.shape_cast %sub3A_43 : vector<1x64xf32> to vector<1x64xf32>
    %broadcast_in_dim3A_360 = vector.broadcast %broadcast_in_dim3A_359 : vector<1x64xf32> to vector<129x64xf32>
    %le3A_361 = arith.cmpf ole, %broadcast_in_dim3A_360, %convert_element_type3A_358 : vector<129x64xf32>
    %convert_element_type3A_362 = arith.extui %le3A_361 : vector<129x64xi1> to vector<129x64xi32>
    %convert_element_type3A_363 = arith.sitofp %convert_element_type3A_362 : vector<129x64xi32> to vector<129x64xf32>
    %reduce_sum3A_364 = arith.constant dense<0.000000e+00> : vector<129xf32>
    %reduce_sum3A_365 = vector.multi_reduction <add>, %convert_element_type3A_363, %reduce_sum3A_364 [1] : vector<129x64xf32> to vector<129xf32>
    %broadcast_in_dim3A_366 = vector.shape_cast %reduce_sum3A_365 : vector<129xf32> to vector<129x1xf32>
    %sub3A_367 = arith.constant 1.000000e+00 : f32
    %sub3A_368 = vector.broadcast %sub3A_367 : f32 to vector<129x1xf32>
    %sub3A_369 = arith.subf %broadcast_in_dim3A_366, %sub3A_368 : vector<129x1xf32>
    %reduce_sum3A_370 = arith.constant dense<0.000000e+00> : vector<1xf32>
    %reduce_sum3A_371 = vector.multi_reduction <add>, %floor3A, %reduce_sum3A_370 [1] : vector<1x64xf32> to vector<1xf32>
    %broadcast_in_dim3A_372 = vector.shape_cast %reduce_sum3A_371 : vector<1xf32> to vector<1x1xf32>
    %iota3A_373 = tpu.iota {dimensions = array<i32: 0>} : vector<129x1xi32>
    %eq3A_374 = arith.constant 128 : i32
    %eq3A_375 = vector.broadcast %eq3A_374 : i32 to vector<129x1xi32>
    %eq3A_376 = arith.cmpi eq, %iota3A_373, %eq3A_375 : vector<129x1xi32>
    %broadcast_in_dim3A_377 = vector.shape_cast %broadcast_in_dim3A_372 : vector<1x1xf32> to vector<1x1xf32>
    %broadcast_in_dim3A_378 = vector.broadcast %broadcast_in_dim3A_377 : vector<1x1xf32> to vector<129x1xf32>
    %select_n3A_379 = arith.select %eq3A_376, %broadcast_in_dim3A_378, %sub3A_369 : vector<129x1xi1>, vector<129x1xf32>
    %convert_element_type3A_380 = arith.fptosi %select_n3A_379 : vector<129x1xf32> to vector<129x1xi32>
    %swap3A_381 = arith.constant 0 : index
    %swap3A_382 = arith.constant 0 : index
    %swap3A_383 = vector.load %arg5[%swap3A_381, %swap3A_382] : memref<129x1xi32, #tpu.memory_space<vmem>>, vector<129x1xi32>
    tpu.vector_store %arg5[%swap3A_381, %swap3A_382], %convert_element_type3A_380 {strides = array<i32>} : memref<129x1xi32, #tpu.memory_space<vmem>>, vector<129x1xi32>,
    return
  }
}

module attributes {stable_mosaic.version = 14 : i64} {
  func.func @_combine_body(%arg0: i32, %arg1: memref<256x768xf32, #tpu.memory_space<vmem>>, %arg2: memref<256x768xf32, #tpu.memory_space<vmem>>, %arg3: memref<256x1xf32, #tpu.memory_space<vmem>>, %arg4: memref<1024x768xf32, #tpu.memory_space<vmem>>, %arg5: memref<768x512xf32, #tpu.memory_space<vmem>>, %arg6: memref<256x768xf32, #tpu.memory_space<vmem>>) attributes {dimension_semantics = [#tpu.dimension_semantics<arbitrary>], iteration_bounds = array<i64: 8>, scalar_prefetch = 0 : i64, scratch_operands = 0 : i64, tpu.core_type = #tpu.core_type<tc>, window_params = [{transform_indices = @transform_0, window_bounds = array<i64: 256, 768>}, {transform_indices = @transform_1, window_bounds = array<i64: 256, 768>}, {transform_indices = @transform_2, window_bounds = array<i64: 256, 1>}, {pipeline_mode = #tpu.pipeline_mode<synchronous>, transform_indices = @transform_3, window_bounds = array<i64: 1024, 768>}, {pipeline_mode = #tpu.pipeline_mode<synchronous>, transform_indices = @transform_4, window_bounds = array<i64: 768, 512>}, {transform_indices = @transform_5, window_bounds = array<i64: 256, 768>}]} {
    %get3A = arith.constant 0 : index
    %get3A_0 = arith.constant 0 : index
    %get3A_1 = vector.load %arg1[%get3A, %get3A_0] : memref<256x768xf32, #tpu.memory_space<vmem>>, vector<256x768xf32>
    %get3A_2 = arith.constant 0 : index
    %get3A_3 = arith.constant 0 : index
    %get3A_4 = vector.load %arg4[%get3A_2, %get3A_3] : memref<1024x768xf32, #tpu.memory_space<vmem>>, vector<1024x768xf32>
    %get3A_5 = arith.constant 0 : index
    %get3A_6 = arith.constant 0 : index
    %get3A_7 = vector.load %arg5[%get3A_5, %get3A_6] : memref<768x512xf32, #tpu.memory_space<vmem>>, vector<768x512xf32>
    %dot_general3A = arith.constant dense<0.000000e+00> : vector<256x1024xf32>
    %dot_general3A_8 = tpu.matmul %get3A_1, %get3A_4, %dot_general3A {dimension_numbers = #tpu.dot_dimension_numbers<[1], [1], [0], [0], [0, 0, 1, 0], [], []>, transpose_lhs_hint = false} : vector<256x768xf32>, vector<1024x768xf32>, vector<256x1024xf32> -> vector<256x1024xf32>
    %slice3A = vector.extract_strided_slice %dot_general3A_8 {offsets = [0, 0], sizes = [256, 512], strides = [1, 1]} : vector<256x1024xf32> to vector<256x512xf32>
    %slice3A_9 = vector.extract_strided_slice %dot_general3A_8 {offsets = [0, 512], sizes = [256, 512], strides = [1, 1]} : vector<256x1024xf32> to vector<256x512xf32>
    %logistic3A = arith.negf %slice3A : vector<256x512xf32>
    %logistic3A_10 = math.exp %logistic3A : vector<256x512xf32>
    %logistic3A_11 = arith.constant 1.000000e+00 : f32
    %logistic3A_12 = vector.broadcast %logistic3A_11 : f32 to vector<256x512xf32>
    %logistic3A_13 = arith.addf %logistic3A_12, %logistic3A_10 : vector<256x512xf32>
    %logistic3A_14 = arith.divf %logistic3A_12, %logistic3A_13 : vector<256x512xf32>
    %mul3A = arith.mulf %slice3A, %logistic3A_14 : vector<256x512xf32>
    %mul3A_15 = arith.mulf %mul3A, %slice3A_9 : vector<256x512xf32>
    %dot_general3A_16 = arith.constant dense<0.000000e+00> : vector<256x768xf32>
    %dot_general3A_17 = tpu.matmul %mul3A_15, %get3A_7, %dot_general3A_16 {dimension_numbers = #tpu.dot_dimension_numbers<[1], [1], [0], [0], [0, 0, 1, 0], [], []>, transpose_lhs_hint = false} : vector<256x512xf32>, vector<768x512xf32>, vector<256x768xf32> -> vector<256x768xf32>
    %get3A_18 = arith.constant 0 : index
    %get3A_19 = arith.constant 0 : index
    %get3A_20 = vector.load %arg3[%get3A_18, %get3A_19] : memref<256x1xf32, #tpu.memory_space<vmem>>, vector<256x1xf32>
    %get3A_21 = arith.constant 0 : index
    %get3A_22 = arith.constant 0 : index
    %get3A_23 = vector.load %arg2[%get3A_21, %get3A_22] : memref<256x768xf32, #tpu.memory_space<vmem>>, vector<256x768xf32>
    %mul3A_24 = vector.broadcast %get3A_20 : vector<256x1xf32> to vector<256x768xf32>
    %mul3A_25 = arith.mulf %mul3A_24, %get3A_23 : vector<256x768xf32>
    %add3A = arith.addf %dot_general3A_17, %mul3A_25 : vector<256x768xf32>
    %swap3A = arith.constant 0 : index
    %swap3A_26 = arith.constant 0 : index
    %swap3A_27 = vector.load %arg6[%swap3A, %swap3A_26] : memref<256x768xf32, #tpu.memory_space<vmem>>, vector<256x768xf32>
    tpu.vector_store %arg6[%swap3A, %swap3A_26], %add3A {strides = array<i32>} : memref<256x768xf32, #tpu.memory_space<vmem>>, vector<256x768xf32>,
    return
  }
  func.func @transform_0(%arg0: i32) -> (i32, i32) {
    %c0_i32 = arith.constant 0 : i32
    %c0_i32_0 = arith.constant 0 : i32
    return %arg0, %c0_i32 : i32, i32
  }
  func.func @transform_1(%arg0: i32) -> (i32, i32) {
    %c0_i32 = arith.constant 0 : i32
    %c0_i32_0 = arith.constant 0 : i32
    return %arg0, %c0_i32 : i32, i32
  }
  func.func @transform_2(%arg0: i32) -> (i32, i32) {
    %c0_i32 = arith.constant 0 : i32
    %c0_i32_0 = arith.constant 0 : i32
    return %arg0, %c0_i32 : i32, i32
  }
  func.func @transform_3(%arg0: i32) -> (i32, i32) {
    %c0_i32 = arith.constant 0 : i32
    %c0_i32_0 = arith.constant 0 : i32
    %c0_i32_1 = arith.constant 0 : i32
    return %c0_i32, %c0_i32_0 : i32, i32
  }
  func.func @transform_4(%arg0: i32) -> (i32, i32) {
    %c0_i32 = arith.constant 0 : i32
    %c0_i32_0 = arith.constant 0 : i32
    %c0_i32_1 = arith.constant 0 : i32
    return %c0_i32, %c0_i32_0 : i32, i32
  }
  func.func @transform_5(%arg0: i32) -> (i32, i32) {
    %c0_i32 = arith.constant 0 : i32
    %c0_i32_0 = arith.constant 0 : i32
    return %arg0, %c0_i32 : i32, i32
  }
}

</mosaic_0001>

<sc_bundles>
// kernel: kernel.10.cloned.1.call-start
scs
__scs_entry_jumppad:
0x0: {  	(pc) =	sbr.rel $0x88, $3  }
0x1: {  	(tag) =	ssettag $0x0;
	lr =	simm.s32 $0x1  }
0x2: {  	[smem:$0x3F9B] =	sst lr;
	_ =	strace $0xD0000000  }
0x3: {  	_ = 	snop  }
0x4: {  	_ = 	snop  }
0x5: {  	_ = 	snop  }
0x6: {  	_ = 	snop  }
0x7: {  	_ = 	snop  }
__scs_overlays_trampoline_lowered:
0x8: {  	[smem:$0x3FAA] =	sst s0  }
0x9: {  	[smem:$0x3FAB] =	sst s1  }
0xa: {  	[smem:$0x3FAC] =	sst s2  }
0xb: {  	[smem:$0x3FAD] =	sst s3  }
0xc: {  	[smem:$0x3FAE] =	sst s4  }
0xd: {  	[smem:$0x3FAF] =	sst s5  }
0xe: {  	[smem:$0x3FB0] =	sst s6  }
0xf: {  	[smem:$0x3FB1] =	sst s7  }
0x10: {  	[smem:$0x3FB2] =	sst s8  }
0x11: {  	[smem:$0x3FB3] =	sst s9;
	s0 =	simm.s32 @!p0 $0x0  }
0x12: {  	s1 =	sld [smem:$0x3F99];
	s0 =	simm.s32 @p0 $0x1  }
0x13: {  	[smem:$0x3FB4] =	sst s0;
	s0 =	simm.s32 @!p1 $0x0  }
0x14: {  	s2 =	sld [smem:$0x3F98];
	s0 =	simm.s32 @p1 $0x1  }
0x15: {  	[smem:$0x3FB5] =	sst s0;
	s0 =	simm.s32 @!p2 $0x0  }
0x16: {  	s3 =	sld [smem:$0x3FDB];
	s0 =	simm.s32 @p2 $0x1  }
0x17: {  	s4 =	simm.s32 $0x1BF5;
	[smem:$0x3FB7] =	sst s0  }
0x18: {  	s0 =	sld [smem:$0x3F9A];
	_ =	swait.ge [sflag:s4], $0x0  }
0x19: {  	s7 =	sld [smem:$0x3F9B]  }
0x1a: {  	s8 =	sadd.s32 $0xFFFFE003, lr  }
0x1b: {  	s9 =	sadd.s32 $0xFFFFFEF7, lr;
	s5 =	simm.s32 $0xFFFFFFFF;
	p2 =	slt.u32 s8, $0xFFFFF086  }
0x1c: {  	p1 =	slt.u32 s9, $0xF7A;
	s5 =	simm.s32 @!p2 $0x0  }
0x1d: {  	s5 =	simm.s32 @p1 $0x1;
	p0 =	seq.s32 s7, s2  }
0x1e: {  	s7 =	smul.u32 @!p0 $0xF7A, s2;
	p2 =	seq.s32 @!p0 s5, $0x0  }
0x1f: {  	s9 =	smul.u32 $0xF7A, s1;
	s8 =	simm.s32 @!p0 $0x1BF5;
	p2 =	por !p2, p0  }
0x20: {  	[sflag:s8] =	ssyncset.s32 @!p0 $0xFFFFF086;
	s6 =	sadd.s32 @!p0 s3, s7;
	s7 =	simm.s32 @!p0 $0x108  }
0x21: {  	s3 =	sadd.s32 s3, s9;
	s6 =	sadd.s32 @!p0 $0x88, s6;
	s7 =	simm.s32 @p2 $0x1082  }
0x22: {  	[simem:s7], [sflag:s8] =	dma.local @!p0 [hbm:s6], $0xF7A  }
0x23: {  	s9 =	sor.u32 $0xD0000000, s2;
	s6 =	simm.s32 $0x108;
	_ =	swait.ge @!p0 [sflag:s8], $0x0  }
0x24: {  	s3 =	sadd.s32 $0x88, s3;
	s6 =	simm.s32 @!p1 $0x1082;
	[sflag:s4] =	ssyncset.s32 $0xFFFFF086  }
0x25: {  	[simem:s6], [sflag:s4] =	dma.local [hbm:s3], $0xF7A  }
0x26: {  	[smem:$0x3F9B] =	sst s1;
	(tag) =	ssettag s2;
	_ =	strace s9  }
0x27: {  	s1 =	sld [smem:$0x3FAB]  }
0x28: {  	s2 =	sld [smem:$0x3FAC]  }
0x29: {  	s4 =	sld [smem:$0x3FAE]  }
0x2a: {  	p0 =	seq.s32 s5, $0x0;
	s5 =	sld [smem:$0x3FAF]  }
0x2b: {  	s6 =	sld [smem:$0x3FB0]  }
0x2c: {  	s7 =	sld [smem:$0x3FB1]  }
0x2d: {  	s3 =	simm.s32 $0x108;
	s8 =	sld [smem:$0x3FB2]  }
0x2e: {  	s3 =	simm.s32 @!p0 $0x1082;
	s9 =	sld [smem:$0x3FB3]  }
0x2f: {  	lr =	sadd.s32 s0, s3;
	s0 =	sld [smem:$0x3FAA]  }
0x30: {  	s3 =	sld [smem:$0x3FAD]  }
0x31: {  	[smem:$0x3FB6] =	sst s10  }
0x32: {  	s10 =	sld [smem:$0x3FB4];
	_ =	sdelay $0x3  }
0x33: {  	p0 =	seq.s32 s10, $0x1;
	s10 =	sld [smem:$0x3FB6];
	_ =	sdelay $0x3  }
0x34: {  	[smem:$0x3FB6] =	sst s10  }
0x35: {  	s10 =	sld [smem:$0x3FB5];
	_ =	sdelay $0x3  }
0x36: {  	p1 =	seq.s32 s10, $0x1;
	s10 =	sld [smem:$0x3FB6];
	_ =	sdelay $0x3  }
0x37: {  	[smem:$0x3FB6] =	sst s10  }
0x38: {  	s10 =	sld [smem:$0x3FB7]  }
0x39: {  	_ = 	snop;
	(pc) =	sbr.ind lr, $3  }
0x3a: {  	_ = 	snop  }
0x3b: {  	_ = 	snop  }
0x3c: {  	p2 =	seq.s32 s10, $0x1;
	s10 =	sld [smem:$0x3FB6]  }
0x3d: {  	_ =	shalt  }
0x3e: {  	_ =	shalt  }
0x3f: {  	_ =	shalt  }
0x40: {  	_ =	shalt  }
0x41: {  	_ =	shalt  }
0x42: {  	_ =	shalt  }
0x43: {  	_ =	shalt  }
0x44: {  	_ =	shalt  }
0x45: {  	_ =	shalt  }
0x46: {  	_ =	shalt  }
0x47: {  	_ =	shalt  }
0x48: {  	_ =	shalt  }
0x49: {  	_ =	shalt  }
0x4a: {  	_ =	shalt  }
0x4b: {  	_ =	shalt  }
0x4c: {  	_ =	shalt  }
0x4d: {  	_ =	shalt  }
0x4e: {  	_ =	shalt  }
0x4f: {  	_ =	shalt  }
0x50: {  	_ =	shalt  }
0x51: {  	_ =	shalt  }
0x52: {  	_ =	shalt  }
0x53: {  	_ =	shalt  }
0x54: {  	_ =	shalt  }
0x55: {  	_ =	shalt  }
0x56: {  	_ =	shalt  }
0x57: {  	_ =	shalt  }
0x58: {  	_ =	shalt  }
0x59: {  	_ =	shalt  }
0x5a: {  	_ =	shalt  }
0x5b: {  	_ =	shalt  }
0x5c: {  	_ =	shalt  }
0x5d: {  	_ =	shalt  }
0x5e: {  	_ =	shalt  }
0x5f: {  	_ =	shalt  }
0x60: {  	_ =	shalt  }
0x61: {  	_ =	shalt  }
0x62: {  	_ =	shalt  }
0x63: {  	_ =	shalt  }
0x64: {  	_ =	shalt  }
0x65: {  	_ =	shalt  }
0x66: {  	_ =	shalt  }
0x67: {  	_ =	shalt  }
0x68: {  	_ =	shalt  }
0x69: {  	_ =	shalt  }
0x6a: {  	_ =	shalt  }
0x6b: {  	_ =	shalt  }
0x6c: {  	_ =	shalt  }
0x6d: {  	_ =	shalt  }
0x6e: {  	_ =	shalt  }
0x6f: {  	_ =	shalt  }
0x70: {  	_ =	shalt  }
0x71: {  	_ =	shalt  }
0x72: {  	_ =	shalt  }
0x73: {  	_ =	shalt  }
0x74: {  	_ =	shalt  }
0x75: {  	_ =	shalt  }
0x76: {  	_ =	shalt  }
0x77: {  	_ =	shalt  }
0x78: {  	_ =	shalt  }
0x79: {  	_ =	shalt  }
0x7a: {  	_ =	shalt  }
0x7b: {  	_ =	shalt  }
0x7c: {  	_ =	shalt  }
0x7d: {  	_ =	shalt  }
0x7e: {  	_ =	shalt  }
0x7f: {  	_ =	shalt  }
0x80: {  	_ =	shalt  }
0x81: {  	_ =	shalt  }
0x82: {  	_ =	shalt  }
0x83: {  	_ =	shalt  }
0x84: {  	_ =	shalt  }
0x85: {  	_ =	shalt  }
0x86: {  	_ =	shalt  }
0x87: {  	_ =	shalt  }
.Lfunc_end0:
.L_simem_size_0:
called_computation.1_lowered:
.L_overlay_start_0:
0x88: {  	s2 =	sld [smem:$0x3FD9]  }
0x89: {  	s3 =	sld [smem:$0x3FFE];
	_ =	sdelay $0x1  }
0x8a: {  	s1 =	srdreg.scid  }
0x8b: {  	s0 =	sand.u32 $0x1, s1  }
0x8c: {  	s14 =	sshll.u32 s0, $0xA;
	s2 =	sadd.s32 s3, s2  }
0x8d: {  	s2 =	sadd.s32 s2, s14  }
0x8e: {  	[smem:$0x3FC2] =	sst s2  }
0x8f: {  	_ = 	snop  }
0x90: {  	s2 =	sld [smem:$0x3FD0];
	_ =	sdelay $0x2  }
0x91: {  	s15 =	simm.s32 $0xA;
	s4 =	simm.s32 $0x10  }
0x92: {  	[smem:s4], [sflag:s15] =	dma.local [hbm:s2], $0x1  }
0x93: {  	_ =	swait.eq [sflag:s15], $0x1  }
0x94: {  	[sflag:s15] =	ssyncset.done $0x0  }
0x95: {  	[sflag:s15] =	ssyncadd.s32 $0xFFFFFFFF  }
0x96: {  	s16 =	sld [smem:$0x10];
	(tm) =	ssettm $0x1  }
0x97: {  	s17 =	sld [smem:$0x3FFB];
	_ =	sdelay $0x3  }
0x98: {  	_ =	strace s17  }
0x99: {  	s3 =	sld [smem:$0x3FFC];
	_ =	sdelay $0x3  }
0x9a: {  	_ =	strace s3  }
0x9b: {  	s3 =	sld [smem:$0x3FFD];
	_ =	sdelay $0x3  }
0x9c: {  	_ =	strace s3  }
0x9d: {  	_ =	strace $0x8FFFFFFF  }
0x9e: {  	s18 =	sld [smem:$0x3FDB];
	_ =	sdelay $0x1  }
0x9f: {  	s19 =	simm.s32 $_scs_section_size  }
0xa0: {  	s5 =	simm.s32 $_size__tile_overlayer_lowered;
	s6 =	simm.s32 $_tile_overlayer_lowered  }
0xa1: {  	s22 =	simm.s32 $0x1BFF;
	s21 =	sshll.u32 s6, $0x1;
	s3 =	sadd.s32 s19, s18  }
0xa2: {  	s7 =	simm.s32 $0x0;
	s20 =	sshll.u32 s5, $0x1;
	s5 =	sadd.s32 s21, s3  }
0xa3: {  	[timem:s7], [sflag:s22] =	dma.local [hbm:s5], s20  }
0xa4: {  	_ =	swait.ge [sflag:s22], s20  }
0xa5: {  	s4 =	ssub.s32 $0x0, s20;
	[sflag:s22] =	ssyncset.done $0x0  }
0xa6: {  	[sflag:s22] =	ssyncadd.s32 s4;
	_ =	sdelay $0x1  }
0xa7: {  	s23 =	simm.s32 $0x1B8B  }
0xa8: {  	_ =	swait.ge [sflag:s23], $0x1  }
0xa9: {  	[sflag:s23] =	ssyncset.done $0x0  }
0xaa: {  	s25 =	simm.s32 $0x1B8E;
	s24 =	sld [smem:$0x3FFE];
	[sflag:s23] =	ssyncadd.s32 $0xFFFFFFFF  }
0xab: {  	s26 =	simm.s32 $execute0_lowered;
	[smem:$0x3FD2] =	sst s25  }
0xac: {  	s5 =	sshll.u32 s26, $0x1;
	_ =	strace $0x80000049;
	[dreg:$0x1] =	wrdreg $0xFFFFFFFF  }
0xad: {  	s28 =	simm.s32 $_size_execute0_lowered;
	s3 =	sadd.s32 s3, s5;
	[dreg:$0x0] =	wrdreg $0x0  }
0xae: {  	s5 =	sshll.u32 s28, $0x1;
	[dreg:$0x2] =	wrdreg s3  }
0xaf: {  	[dreg:$0x3] =	wrdreg s5  }
0xb0: {  	[dreg:$0x4] =	wrdreg $0xC0  }
0xb1: {  	_ =	task [dreg:s7], $0x5FFFF  }
0xb2: {  	[dreg:$0x1] =	wrdreg $0xFFFFFFFF  }
0xb3: {  	[dreg:$0x0] =	wrdreg $0x60  }
0xb4: {  	[dreg:$0x2] =	wrdreg s24  }
0xb5: {  	[dreg:$0x3] =	wrdreg s16  }
0xb6: {  	[dreg:$0x4] =	wrdreg $0x9  }
0xb7: {  	_ =	task.clear_ibuf [dreg:s7], $0x5FFFF;
	_ =	strace $0x90000049  }
0xb8: {  	s29 =	simm.s32 $0x9;
	_ =	strace $0x8000004B  }
0xb9: {  	_ =	swait.ge [sflag:s29], $0x1  }
0xba: {  	[sflag:s29] =	ssyncadd.s32 $0xFFFFFFFF  }
0xbb: {  	_ =	strace $0x9000004B  }
0xbc: {  	_ =	sfence  }
0xbd: {  	s30 =	sld [smem:$0x0];
	_ =	sdelay $0x2  }
0xbe: {  	s31 =	sshll.u32 s1, $0xD;
	s1 =	sshrl.u32 s1, $0x2  }
0xbf: {  	s3 =	sand.u32 $0x4000, s31;
	s1 =	sadd.s32 s1, s30  }
0xc0: {  	s0 =	sor.u32 s3, s0;
	s1 =	sshll.u32 s1, $0x11  }
0xc1: {  	s0 =	sor.u32 s1, s0  }
0xc2: {  	s0 =	sadd.s32 $0x8F2B, s0  }
0xc3: {  	[sflag:s0] =	ssyncadd.remote.s32 $0x1  }
0xc4: {  	_ =	sfence.sel $0xFFFF  }
0xc5: {  	[dreg:$0x0] =	wrdreg $0xFFFFFFFF;
	(pc) =	sbr.abs _section_cstart, $3  }
0xc6: {  	[dreg:$0x1] =	wrdreg $0xFFFFFFFF  }
0xc7: {  	_ =	task.clear_ibuf [dreg:s7], $0x2FFFF;
	_ =	strace $0x9FFFFFFF  }
0xc8: {  	(tm) =	ssettm $0x7FFFFFFF  }
0xc9: {  	_ =	shalt  }
tec
execute0_lowered:
.L_overlay_start_1:
0x0: {  	(tag) =	ssettag $0x1  }
0x1: {  	s0 =	rddreg [dreg:$0x0]  }
0x2: {  	s5 =	rddreg [dreg:$0x1];
	s3 =	srdreg.scid  }
0x3: {  	s2 =	simm.s32 $0x0;
	s1 =	stileid.u32;
	s26 =	simm.s32 $0x880  }
0x4: {  	s10 =	simm.s32 $0x1880;
	s11 =	simm.s32 $0x2080;
	s12 =	simm.s32 $0x2880  }
0x5: {  	s13 =	simm.s32 $0x3080;
	s14 =	simm.s32 $0x3880;
	s15 =	simm.s32 $0x4080  }
0x6: {  	s16 =	simm.s32 $0x4880;
	s17 =	simm.s32 $0x5080;
	s18 =	simm.s32 $0x5880  }
0x7: {  	s19 =	simm.s32 $0x6080;
	s20 =	simm.s32 $0x6880;
	s21 =	simm.s32 $0x7080  }
0x8: {  	s22 =	simm.s32 $0x7880;
	s28 =	simm.s32 $0xA080;
	s29 =	simm.s32 $0xA880  }
0x9: {  	s30 =	simm.s32 $0xB080;
	s31 =	simm.s32 $0xB880;
	s3 =	sand.u32 $0x1, s3  }
0xa: {  	[smem:$0x7FF] =	sst s2;
	s4 =	sshll.u32 s1, $0x4;
	s6 =	sshll.u32 s3, $0x3  }
0xb: {  	_ =	strace $0x8000004A;
	s23 =	ssub.s32 $0x2, s3;
	s3 =	sadd.s32 $0x1600, s0  }
0xc: {  	[dreg:$0x5] =	wrdreg s26;
	s26 =	simm.s32 $0x9880;
	s4 =	sor.u32 s6, s4  }
0xd: {  	s8 =	sshrl.u32 s23, $0x1;
	s7 =	sadd.s32 s4, s0;
	s9 =	smul.u32 $0x300, s4  }
0xe: {  	s6 =	ssub.s32 s23, s8;
	s4 =	sadd.s32 $0x1700, s0;
	s8 =	simm.s32 $0x80  }
0xf: {  	s23 =	simm.s32 $0x8080;
	s24 =	sadd.s32 $0x1400, s7;
	s6 =	smax.u32 s6, $0x1  }
0x10: {  	v2 =	vlaneseq.u32;
	s7 =	simm.s32 $0x2;
	[dreg:$0x3] =	wrdreg s24;
	s25 =	sadd.s32 s5, s9  }
0x11: {  	vm0 =	vmmov $0xffff;
	v1 =	vshrl.u32 v2, $0x3;
	s5 =	sadd.s32 $0x1800, s0;
	s9 =	simm.s32 $0x1080;
	s24 =	simm.s32 $0x8880  }
0x12: {  	v0 =	vand.u32 $0x7, v2;
	v2 =	vor.u32 $0x8, v2;
	v1 =	vmul.u32 $0x8, v1;
	s0 =	simm.s32 $0x1;
	[dreg:$0x4] =	wrdreg s25;
	s25 =	simm.s32 $0x9080  }
.LBB2_1:
0x13: {  	s1 =	rddreg [dreg:$0x3]  }
0x14: {  	[tilespmem:s2], [sflag:$0x2] =	stream.linear.gather [hbm4b:s1+s2], $0x40, $0x38;
	[tilespmem:$0xC080] =	vst v63  }
0x15: {  	_ =	swait.ge [sflag:s7], $0x40  }
0x16: {  	[sflag:s7] =	ssyncset.done $0x0  }
0x17: {  	[sflag:s7] =	ssyncadd.s32 $0xFFFFFFC0  }
0x18: {  	v3 =	vld [tilespmem:$0x0];
	_ =	sdelay $0x4  }
0x19: {  	v4 =	vshrl.u32 v3, $0x3  }
0x1a: {  	v4 =	vmul.u32 $0x30, v4  }
0x1b: {  	v3 =	vand.u32 $0x7, v3  }
0x1c: {  	v3 =	vor.u32 v3, v4  }
0x1d: {  	v4 =	vperm.xlane v3, v0;
	_ =	sdelay $0x1  }
0x1e: {  	v4 =	vadd.s32 v1, v4;
	_ =	sdelay $0x3  }
0x1f: {  	v3 =	vperm.xlane v3, v2  }
0x20: {  	[tilespmem:s8], [sflag:$0x1] =	stream.indirect_vreg.gather [hbm4b:s3+s2], $0x80, v4, vm0, $0xb8;
	[tilespmem:$0xC080] =	vst v63  }
0x21: {  	s1 =	rddreg [dreg:$0x5];
	v3 =	vadd.s32 v1, v3  }
0x22: {  	[tilespmem:s1], [sflag:$0x1] =	stream.indirect_vreg.gather [hbm4b:s4+s2], $0x80, v4, vm0, $0xb8;
	[tilespmem:$0xC080] =	vst v63  }
0x23: {  	_ = 	snop  }
0x24: {  	[tilespmem:s9], [sflag:$0x1] =	stream.indirect_vreg.gather [hbm4b:s5+s2], $0x80, v4, vm0, $0xb8;
	[tilespmem:$0xC080] =	vst v63  }
0x25: {  	_ = 	snop  }
0x26: {  	[tilespmem:s10], [sflag:$0x1] =	stream.indirect_vreg.gather [hbm4b:s3+s2], $0x80, v3, vm0, $0xb8;
	[tilespmem:$0xC080] =	vst v63  }
0x27: {  	_ = 	snop  }
0x28: {  	[tilespmem:s11], [sflag:$0x1] =	stream.indirect_vreg.gather [hbm4b:s4+s2], $0x80, v3, vm0, $0xb8;
	[tilespmem:$0xC080] =	vst v63  }
0x29: {  	_ = 	snop  }
0x2a: {  	[tilespmem:s12], [sflag:$0x1] =	stream.indirect_vreg.gather [hbm4b:s5+s2], $0x80, v3, vm0, $0xb8;
	[tilespmem:$0xC080] =	vst v63  }
0x2b: {  	v3 =	vld [tilespmem:$0x10];
	_ =	sdelay $0x4  }
0x2c: {  	v61 =	vshrl.u32 v3, $0x3  }
0x2d: {  	v4 =	vmul.u32 $0x30, v61  }
0x2e: {  	v3 =	vand.u32 $0x7, v3  }
0x2f: {  	v3 =	vor.u32 v3, v4  }
0x30: {  	v4 =	vperm.xlane v3, v0;
	_ =	sdelay $0x1  }
0x31: {  	v4 =	vadd.s32 v1, v4;
	_ =	sdelay $0x3  }
0x32: {  	v3 =	vperm.xlane v3, v2  }
0x33: {  	[tilespmem:s13], [sflag:$0x1] =	stream.indirect_vreg.gather [hbm4b:s3+s2], $0x80, v4, vm0, $0xb8;
	[tilespmem:$0xC080] =	vst v63  }
0x34: {  	v3 =	vadd.s32 v1, v3  }
0x35: {  	[tilespmem:s14], [sflag:$0x1] =	stream.indirect_vreg.gather [hbm4b:s4+s2], $0x80, v4, vm0, $0xb8;
	[tilespmem:$0xC080] =	vst v63  }
0x36: {  	_ = 	snop  }
0x37: {  	[tilespmem:s15], [sflag:$0x1] =	stream.indirect_vreg.gather [hbm4b:s5+s2], $0x80, v4, vm0, $0xb8;
	[tilespmem:$0xC080] =	vst v63  }
0x38: {  	_ = 	snop  }
0x39: {  	[tilespmem:s16], [sflag:$0x1] =	stream.indirect_vreg.gather [hbm4b:s3+s2], $0x80, v3, vm0, $0xb8;
	[tilespmem:$0xC080] =	vst v63  }
0x3a: {  	_ = 	snop  }
0x3b: {  	[tilespmem:s17], [sflag:$0x1] =	stream.indirect_vreg.gather [hbm4b:s4+s2], $0x80, v3, vm0, $0xb8;
	[tilespmem:$0xC080] =	vst v63  }
0x3c: {  	_ = 	snop  }
0x3d: {  	[tilespmem:s18], [sflag:$0x1] =	stream.indirect_vreg.gather [hbm4b:s5+s2], $0x80, v3, vm0, $0xb8;
	[tilespmem:$0xC080] =	vst v63  }
0x3e: {  	v3 =	vld [tilespmem:$0x20];
	_ =	sdelay $0x4  }
0x3f: {  	v62 =	vshrl.u32 v3, $0x3  }
0x40: {  	v4 =	vmul.u32 $0x30, v62  }
0x41: {  	v3 =	vand.u32 $0x7, v3  }
0x42: {  	v3 =	vor.u32 v3, v4  }
0x43: {  	v4 =	vperm.xlane v3, v0;
	_ =	sdelay $0x1  }
0x44: {  	v4 =	vadd.s32 v1, v4;
	_ =	sdelay $0x3  }
0x45: {  	v3 =	vperm.xlane v3, v2  }
0x46: {  	[tilespmem:s19], [sflag:$0x1] =	stream.indirect_vreg.gather [hbm4b:s3+s2], $0x80, v4, vm0, $0xb8;
	[tilespmem:$0xC080] =	vst v63  }
0x47: {  	v3 =	vadd.s32 v1, v3  }
0x48: {  	[tilespmem:s20], [sflag:$0x1] =	stream.indirect_vreg.gather [hbm4b:s4+s2], $0x80, v4, vm0, $0xb8;
	[tilespmem:$0xC080] =	vst v63  }
0x49: {  	_ = 	snop  }
0x4a: {  	[tilespmem:s21], [sflag:$0x1] =	stream.indirect_vreg.gather [hbm4b:s5+s2], $0x80, v4, vm0, $0xb8;
	[tilespmem:$0xC080] =	vst v63  }
0x4b: {  	_ = 	snop  }
0x4c: {  	[tilespmem:s22], [sflag:$0x1] =	stream.indirect_vreg.gather [hbm4b:s3+s2], $0x80, v3, vm0, $0xb8;
	[tilespmem:$0xC080] =	vst v63  }
0x4d: {  	_ = 	snop  }
0x4e: {  	[tilespmem:s23], [sflag:$0x1] =	stream.indirect_vreg.gather [hbm4b:s4+s2], $0x80, v3, vm0, $0xb8;
	[tilespmem:$0xC080] =	vst v63  }
0x4f: {  	_ = 	snop  }
0x50: {  	[tilespmem:s24], [sflag:$0x1] =	stream.indirect_vreg.gather [hbm4b:s5+s2], $0x80, v3, vm0, $0xb8;
	[tilespmem:$0xC080] =	vst v63  }
0x51: {  	v3 =	vld [tilespmem:$0x30];
	_ =	sdelay $0x4  }
0x52: {  	v63 =	vshrl.u32 v3, $0x3  }
0x53: {  	v4 =	vmul.u32 $0x30, v63  }
0x54: {  	v3 =	vand.u32 $0x7, v3  }
0x55: {  	v3 =	vor.u32 v3, v4  }
0x56: {  	v4 =	vperm.xlane v3, v0;
	_ =	sdelay $0x1  }
0x57: {  	v4 =	vadd.s32 v1, v4;
	_ =	sdelay $0x3  }
0x58: {  	v3 =	vperm.xlane v3, v2  }
0x59: {  	[tilespmem:s25], [sflag:$0x1] =	stream.indirect_vreg.gather [hbm4b:s3+s2], $0x80, v4, vm0, $0xb8;
	[tilespmem:$0xC080] =	vst v63  }
0x5a: {  	v3 =	vadd.s32 v1, v3  }
0x5b: {  	[tilespmem:s26], [sflag:$0x1] =	stream.indirect_vreg.gather [hbm4b:s4+s2], $0x80, v4, vm0, $0xb8;
	[tilespmem:$0xC080] =	vst v63  }
0x5c: {  	_ = 	snop  }
0x5d: {  	[tilespmem:s28], [sflag:$0x1] =	stream.indirect_vreg.gather [hbm4b:s5+s2], $0x80, v4, vm0, $0xb8;
	[tilespmem:$0xC080] =	vst v63  }
0x5e: {  	_ = 	snop  }
0x5f: {  	[tilespmem:s29], [sflag:$0x1] =	stream.indirect_vreg.gather [hbm4b:s3+s2], $0x80, v3, vm0, $0xb8;
	[tilespmem:$0xC080] =	vst v63  }
0x60: {  	_ = 	snop  }
0x61: {  	[tilespmem:s30], [sflag:$0x1] =	stream.indirect_vreg.gather [hbm4b:s4+s2], $0x80, v3, vm0, $0xb8;
	[tilespmem:$0xC080] =	vst v63  }
0x62: {  	_ = 	snop  }
0x63: {  	[tilespmem:s31], [sflag:$0x1] =	stream.indirect_vreg.gather [hbm4b:s5+s2], $0x80, v3, vm0, $0xb8;
	[tilespmem:$0xC080] =	vst v63  }
0x64: {  	_ =	swait.ge [sflag:s0], $0xC000  }
0x65: {  	p0 =	sne.s32 s6, $0x1;
	[sflag:s0] =	ssyncset.done $0x0  }
.Ltmp0:
0x66: {  	s1 =	rddreg [dreg:$0x4];
	[sflag:s0] =	ssyncadd.s32 $0xFFFF4000;
	(pc) =	sbr.rel @p0 .LBB2_1-.Ltmp0, $4  }
0x67: {  	[hbm4b:s1+s2] =	stream.linear.scatter [tilespmem:s8], [sflag:$0x2], $0xC000, $0x38;
	[tilespmem:$0xC080] =	vst v63  }
0x68: {  	_ =	swait.ge [sflag:s7], $0xC000  }
0x69: {  	[sflag:s7] =	ssyncset.done $0x0  }
0x6a: {  	s6 =	sadd.s32 $0xFFFFFFFF, s6;
	[sflag:s7] =	ssyncadd.s32 $0xFFFF4000  }
0x6b: {  	_ =	sfence.sel $0x180000  }
0x6c: {  	[bflag:$0x0] =	sbarrier.arrive $0xFFFF  }
0x6d: {  	_ =	strace $0x9000004A  }
0x6e: {  	s0 =	stileid.u32;
	[bflag:$0x2] =	sbarrier.arrive $0xFFFF  }
0x6f: {  	p0 =	sne.s32 s0, $0x0;
	s0 =	rddreg [dreg:$0x2]  }
0x70: {  	s0 =	sadd.s32 @!p0 $0x100000, s0  }
0x71: {  	[sflag:s0] =	ssyncadd.tile.s32 @!p0 $0x1;
	_ =	shalt  }
.Lfunc_end2:
_tile_overlayer_lowered:
.L_overlay_start_2:
0x72: {  	(tag) =	ssettag $0x2  }
0x73: {  	s0 =	rddreg [dreg:$0x0];
	s2 =	stileid.u32  }
0x74: {  	s1 =	rddreg [dreg:$0x1];
	p0 =	sne.s32 s2, $0x0  }
0x75: {  	s3 =	rddreg [dreg:$0x2];
	[bflag:$0x3] =	sbarrier.arrive $0xFFFF;
	s2 =	simm.s32 @!p0 $0x1C02  }
0x76: {  	[timem:s3], [sflag:s2] =	dma.local @!p0 [hbm:s0], s1  }
0x77: {  	s0 =	simm.s32 @!p0 $0x2  }
0x78: {  	_ =	swait.ge @!p0 [sflag:s0], s1  }
0x79: {  	s1 =	ssub.s32 @!p0 $0x0, s1;
	[sflag:s0] =	ssyncset.done @!p0 $0x0  }
0x7a: {  	[sflag:s0] =	ssyncadd.s32 @!p0 s1  }
0x7b: {  	[bflag:$0x3] =	sbarrier.arrive $0xFFFF  }
0x7c: {  	_ =	shalt  }

// kernel: kernel.7.cloned.1.call-start
scs
__scs_entry_jumppad:
0x0: {  	(pc) =	sbr.rel $0x88, $3  }
0x1: {  	(tag) =	ssettag $0x0;
	lr =	simm.s32 $0x1  }
0x2: {  	[smem:$0x3F9B] =	sst lr;
	_ =	strace $0xD0000000  }
0x3: {  	_ = 	snop  }
0x4: {  	_ = 	snop  }
0x5: {  	_ = 	snop  }
0x6: {  	_ = 	snop  }
0x7: {  	_ = 	snop  }
__scs_overlays_trampoline_lowered:
0x8: {  	[smem:$0x3FAA] =	sst s0  }
0x9: {  	[smem:$0x3FAB] =	sst s1  }
0xa: {  	[smem:$0x3FAC] =	sst s2  }
0xb: {  	[smem:$0x3FAD] =	sst s3  }
0xc: {  	[smem:$0x3FAE] =	sst s4  }
0xd: {  	[smem:$0x3FAF] =	sst s5  }
0xe: {  	[smem:$0x3FB0] =	sst s6  }
0xf: {  	[smem:$0x3FB1] =	sst s7  }
0x10: {  	[smem:$0x3FB2] =	sst s8  }
0x11: {  	[smem:$0x3FB3] =	sst s9;
	s0 =	simm.s32 @!p0 $0x0  }
0x12: {  	s1 =	sld [smem:$0x3F99];
	s0 =	simm.s32 @p0 $0x1  }
0x13: {  	[smem:$0x3FB4] =	sst s0;
	s0 =	simm.s32 @!p1 $0x0  }
0x14: {  	s2 =	sld [smem:$0x3F98];
	s0 =	simm.s32 @p1 $0x1  }
0x15: {  	[smem:$0x3FB5] =	sst s0;
	s0 =	simm.s32 @!p2 $0x0  }
0x16: {  	s3 =	sld [smem:$0x3FDB];
	s0 =	simm.s32 @p2 $0x1  }
0x17: {  	s4 =	simm.s32 $0x1BF5;
	[smem:$0x3FB7] =	sst s0  }
0x18: {  	s0 =	sld [smem:$0x3F9A];
	_ =	swait.ge [sflag:s4], $0x0  }
0x19: {  	s7 =	sld [smem:$0x3F9B]  }
0x1a: {  	s8 =	sadd.s32 $0xFFFFE003, lr  }
0x1b: {  	s9 =	sadd.s32 $0xFFFFFEF7, lr;
	s5 =	simm.s32 $0xFFFFFFFF;
	p2 =	slt.u32 s8, $0xFFFFF086  }
0x1c: {  	p1 =	slt.u32 s9, $0xF7A;
	s5 =	simm.s32 @!p2 $0x0  }
0x1d: {  	s5 =	simm.s32 @p1 $0x1;
	p0 =	seq.s32 s7, s2  }
0x1e: {  	s7 =	smul.u32 @!p0 $0xF7A, s2;
	p2 =	seq.s32 @!p0 s5, $0x0  }
0x1f: {  	s9 =	smul.u32 $0xF7A, s1;
	s8 =	simm.s32 @!p0 $0x1BF5;
	p2 =	por !p2, p0  }
0x20: {  	[sflag:s8] =	ssyncset.s32 @!p0 $0xFFFFF086;
	s6 =	sadd.s32 @!p0 s3, s7;
	s7 =	simm.s32 @!p0 $0x108  }
0x21: {  	s3 =	sadd.s32 s3, s9;
	s6 =	sadd.s32 @!p0 $0x88, s6;
	s7 =	simm.s32 @p2 $0x1082  }
0x22: {  	[simem:s7], [sflag:s8] =	dma.local @!p0 [hbm:s6], $0xF7A  }
0x23: {  	s9 =	sor.u32 $0xD0000000, s2;
	s6 =	simm.s32 $0x108;
	_ =	swait.ge @!p0 [sflag:s8], $0x0  }
0x24: {  	s3 =	sadd.s32 $0x88, s3;
	s6 =	simm.s32 @!p1 $0x1082;
	[sflag:s4] =	ssyncset.s32 $0xFFFFF086  }
0x25: {  	[simem:s6], [sflag:s4] =	dma.local [hbm:s3], $0xF7A  }
0x26: {  	[smem:$0x3F9B] =	sst s1;
	(tag) =	ssettag s2;
	_ =	strace s9  }
0x27: {  	s1 =	sld [smem:$0x3FAB]  }
0x28: {  	s2 =	sld [smem:$0x3FAC]  }
0x29: {  	s4 =	sld [smem:$0x3FAE]  }
0x2a: {  	p0 =	seq.s32 s5, $0x0;
	s5 =	sld [smem:$0x3FAF]  }
0x2b: {  	s6 =	sld [smem:$0x3FB0]  }
0x2c: {  	s7 =	sld [smem:$0x3FB1]  }
0x2d: {  	s3 =	simm.s32 $0x108;
	s8 =	sld [smem:$0x3FB2]  }
0x2e: {  	s3 =	simm.s32 @!p0 $0x1082;
	s9 =	sld [smem:$0x3FB3]  }
0x2f: {  	lr =	sadd.s32 s0, s3;
	s0 =	sld [smem:$0x3FAA]  }
0x30: {  	s3 =	sld [smem:$0x3FAD]  }
0x31: {  	[smem:$0x3FB6] =	sst s10  }
0x32: {  	s10 =	sld [smem:$0x3FB4];
	_ =	sdelay $0x3  }
0x33: {  	p0 =	seq.s32 s10, $0x1;
	s10 =	sld [smem:$0x3FB6];
	_ =	sdelay $0x3  }
0x34: {  	[smem:$0x3FB6] =	sst s10  }
0x35: {  	s10 =	sld [smem:$0x3FB5];
	_ =	sdelay $0x3  }
0x36: {  	p1 =	seq.s32 s10, $0x1;
	s10 =	sld [smem:$0x3FB6];
	_ =	sdelay $0x3  }
0x37: {  	[smem:$0x3FB6] =	sst s10  }
0x38: {  	s10 =	sld [smem:$0x3FB7]  }
0x39: {  	_ = 	snop;
	(pc) =	sbr.ind lr, $3  }
0x3a: {  	_ = 	snop  }
0x3b: {  	_ = 	snop  }
0x3c: {  	p2 =	seq.s32 s10, $0x1;
	s10 =	sld [smem:$0x3FB6]  }
0x3d: {  	_ =	shalt  }
0x3e: {  	_ =	shalt  }
0x3f: {  	_ =	shalt  }
0x40: {  	_ =	shalt  }
0x41: {  	_ =	shalt  }
0x42: {  	_ =	shalt  }
0x43: {  	_ =	shalt  }
0x44: {  	_ =	shalt  }
0x45: {  	_ =	shalt  }
0x46: {  	_ =	shalt  }
0x47: {  	_ =	shalt  }
0x48: {  	_ =	shalt  }
0x49: {  	_ =	shalt  }
0x4a: {  	_ =	shalt  }
0x4b: {  	_ =	shalt  }
0x4c: {  	_ =	shalt  }
0x4d: {  	_ =	shalt  }
0x4e: {  	_ =	shalt  }
0x4f: {  	_ =	shalt  }
0x50: {  	_ =	shalt  }
0x51: {  	_ =	shalt  }
0x52: {  	_ =	shalt  }
0x53: {  	_ =	shalt  }
0x54: {  	_ =	shalt  }
0x55: {  	_ =	shalt  }
0x56: {  	_ =	shalt  }
0x57: {  	_ =	shalt  }
0x58: {  	_ =	shalt  }
0x59: {  	_ =	shalt  }
0x5a: {  	_ =	shalt  }
0x5b: {  	_ =	shalt  }
0x5c: {  	_ =	shalt  }
0x5d: {  	_ =	shalt  }
0x5e: {  	_ =	shalt  }
0x5f: {  	_ =	shalt  }
0x60: {  	_ =	shalt  }
0x61: {  	_ =	shalt  }
0x62: {  	_ =	shalt  }
0x63: {  	_ =	shalt  }
0x64: {  	_ =	shalt  }
0x65: {  	_ =	shalt  }
0x66: {  	_ =	shalt  }
0x67: {  	_ =	shalt  }
0x68: {  	_ =	shalt  }
0x69: {  	_ =	shalt  }
0x6a: {  	_ =	shalt  }
0x6b: {  	_ =	shalt  }
0x6c: {  	_ =	shalt  }
0x6d: {  	_ =	shalt  }
0x6e: {  	_ =	shalt  }
0x6f: {  	_ =	shalt  }
0x70: {  	_ =	shalt  }
0x71: {  	_ =	shalt  }
0x72: {  	_ =	shalt  }
0x73: {  	_ =	shalt  }
0x74: {  	_ =	shalt  }
0x75: {  	_ =	shalt  }
0x76: {  	_ =	shalt  }
0x77: {  	_ =	shalt  }
0x78: {  	_ =	shalt  }
0x79: {  	_ =	shalt  }
0x7a: {  	_ =	shalt  }
0x7b: {  	_ =	shalt  }
0x7c: {  	_ =	shalt  }
0x7d: {  	_ =	shalt  }
0x7e: {  	_ =	shalt  }
0x7f: {  	_ =	shalt  }
0x80: {  	_ =	shalt  }
0x81: {  	_ =	shalt  }
0x82: {  	_ =	shalt  }
0x83: {  	_ =	shalt  }
0x84: {  	_ =	shalt  }
0x85: {  	_ =	shalt  }
0x86: {  	_ =	shalt  }
0x87: {  	_ =	shalt  }
.Lfunc_end0:
.L_simem_size_0:
called_computation_lowered:
.L_overlay_start_0:
0x88: {  	s2 =	sld [smem:$0x3FD9]  }
0x89: {  	s3 =	sld [smem:$0x3FFE];
	_ =	sdelay $0x1  }
0x8a: {  	s1 =	srdreg.scid  }
0x8b: {  	s0 =	sand.u32 $0x1, s1  }
0x8c: {  	s17 =	sshll.u32 s0, $0xA;
	s2 =	sadd.s32 s3, s2  }
0x8d: {  	s2 =	sadd.s32 s2, s17  }
0x8e: {  	[smem:$0x3FC2] =	sst s2  }
0x8f: {  	_ = 	snop  }
0x90: {  	s2 =	sld [smem:$0x3FC9];
	(tm) =	ssettm $0x1  }
0x91: {  	s18 =	sld [smem:$0x3FFB];
	_ =	sdelay $0x3  }
0x92: {  	_ =	strace s18  }
0x93: {  	s3 =	sld [smem:$0x3FFC];
	_ =	sdelay $0x3  }
0x94: {  	_ =	strace s3  }
0x95: {  	s3 =	sld [smem:$0x3FFD];
	_ =	sdelay $0x3  }
0x96: {  	_ =	strace s3  }
0x97: {  	_ =	strace $0x8FFFFFFF  }
0x98: {  	s19 =	sld [smem:$0x3FDB];
	_ =	sdelay $0x1  }
0x99: {  	s4 =	simm.s32 $_scs_section_size  }
0x9a: {  	s5 =	simm.s32 $_size__tile_overlayer_lowered;
	s6 =	simm.s32 $_tile_overlayer_lowered  }
0x9b: {  	s22 =	simm.s32 $0x1BFF;
	s21 =	sshll.u32 s6, $0x1;
	s3 =	sadd.s32 s4, s19  }
0x9c: {  	s7 =	simm.s32 $0x0;
	s20 =	sshll.u32 s5, $0x1;
	s5 =	sadd.s32 s21, s3  }
0x9d: {  	[timem:s7], [sflag:s22] =	dma.local [hbm:s5], s20  }
0x9e: {  	_ =	swait.ge [sflag:s22], s20  }
0x9f: {  	s4 =	ssub.s32 $0x0, s20;
	[sflag:s22] =	ssyncset.done $0x0  }
0xa0: {  	[sflag:s22] =	ssyncadd.s32 s4;
	_ =	sdelay $0x1  }
0xa1: {  	s23 =	simm.s32 $0x1B8B  }
0xa2: {  	_ =	swait.ge [sflag:s23], $0x1  }
0xa3: {  	[sflag:s23] =	ssyncset.done $0x0  }
0xa4: {  	s25 =	simm.s32 $0x1B8E;
	s24 =	sld [smem:$0x3FFE];
	[sflag:s23] =	ssyncadd.s32 $0xFFFFFFFF  }
0xa5: {  	s26 =	simm.s32 $execute0_lowered;
	[smem:$0x3FD2] =	sst s25  }
0xa6: {  	s5 =	sshll.u32 s26, $0x1;
	_ =	strace $0x80000046;
	[dreg:$0x1] =	wrdreg $0xFFFFFFFF  }
0xa7: {  	s28 =	simm.s32 $_size_execute0_lowered;
	s3 =	sadd.s32 s3, s5;
	[dreg:$0x0] =	wrdreg $0x0  }
0xa8: {  	s5 =	sshll.u32 s28, $0x1;
	[dreg:$0x2] =	wrdreg s3  }
0xa9: {  	[dreg:$0x3] =	wrdreg s5  }
0xaa: {  	[dreg:$0x4] =	wrdreg $0xC0  }
0xab: {  	_ =	task [dreg:s7], $0x5FFFF  }
0xac: {  	[dreg:$0x1] =	wrdreg $0xFFFFFFFF  }
0xad: {  	[dreg:$0x0] =	wrdreg $0x60  }
0xae: {  	[dreg:$0x2] =	wrdreg s2  }
0xaf: {  	[dreg:$0x3] =	wrdreg s24  }
0xb0: {  	[dreg:$0x4] =	wrdreg $0x9  }
0xb1: {  	_ =	task.clear_ibuf [dreg:s7], $0x5FFFF;
	_ =	strace $0x90000046  }
0xb2: {  	s29 =	simm.s32 $0x9;
	_ =	strace $0x80000048  }
0xb3: {  	_ =	swait.ge [sflag:s29], $0x1  }
0xb4: {  	[sflag:s29] =	ssyncadd.s32 $0xFFFFFFFF  }
0xb5: {  	_ =	strace $0x90000048  }
0xb6: {  	_ =	sfence  }
0xb7: {  	s30 =	sld [smem:$0x0];
	_ =	sdelay $0x2  }
0xb8: {  	s31 =	sshll.u32 s1, $0xD;
	s1 =	sshrl.u32 s1, $0x2  }
0xb9: {  	s3 =	sand.u32 $0x4000, s31;
	s1 =	sadd.s32 s1, s30  }
0xba: {  	s0 =	sor.u32 s3, s0;
	s1 =	sshll.u32 s1, $0x11  }
0xbb: {  	s0 =	sor.u32 s1, s0  }
0xbc: {  	s0 =	sadd.s32 $0x8F2B, s0  }
0xbd: {  	[sflag:s0] =	ssyncadd.remote.s32 $0x1  }
0xbe: {  	_ =	sfence.sel $0xFFFF  }
0xbf: {  	[dreg:$0x0] =	wrdreg $0xFFFFFFFF;
	(pc) =	sbr.abs _section_cstart, $3  }
0xc0: {  	[dreg:$0x1] =	wrdreg $0xFFFFFFFF  }
0xc1: {  	_ =	task.clear_ibuf [dreg:s7], $0x2FFFF;
	_ =	strace $0x9FFFFFFF  }
0xc2: {  	(tm) =	ssettm $0x7FFFFFFF  }
0xc3: {  	_ =	shalt  }
tec
execute0_lowered:
.L_overlay_start_1:
0x0: {  	(tag) =	ssettag $0x1  }
0x1: {  	s1 =	srdreg.scid  }
0x2: {  	s3 =	rddreg [dreg:$0x0];
	s0 =	stileid.u32  }
0x3: {  	s5 =	rddreg [dreg:$0x1];
	s2 =	simm.s32 $0x0;
	s8 =	simm.s32 $0x80  }
0x4: {  	s26 =	simm.s32 $0x880;
	s9 =	simm.s32 $0x1080;
	s10 =	simm.s32 $0x1880  }
0x5: {  	s11 =	simm.s32 $0x2080;
	s12 =	simm.s32 $0x2880;
	s13 =	simm.s32 $0x3080  }
0x6: {  	s14 =	simm.s32 $0x3880;
	s15 =	simm.s32 $0x4080;
	s16 =	simm.s32 $0x4880  }
0x7: {  	s17 =	simm.s32 $0x5080;
	s18 =	simm.s32 $0x5880;
	s19 =	simm.s32 $0x6080  }
0x8: {  	s20 =	simm.s32 $0x6880;
	s21 =	simm.s32 $0x7080;
	s22 =	simm.s32 $0x7880  }
0x9: {  	s23 =	simm.s32 $0x8080;
	s24 =	simm.s32 $0x8880;
	s25 =	simm.s32 $0x9080  }
0xa: {  	s28 =	simm.s32 $0xA080;
	s29 =	simm.s32 $0xA880;
	s30 =	simm.s32 $0xB080  }
0xb: {  	s31 =	simm.s32 $0xB880;
	s1 =	sand.u32 $0x1, s1;
	[smem:$0x7FF] =	sst s2  }
0xc: {  	s4 =	sshll.u32 s0, $0x4;
	s6 =	sshll.u32 s1, $0x3;
	_ =	strace $0x80000047  }
0xd: {  	s1 =	ssub.s32 $0x2, s1;
	[dreg:$0x5] =	wrdreg s26;
	s4 =	sor.u32 s6, s4  }
0xe: {  	s7 =	sshrl.u32 s1, $0x1;
	s6 =	sadd.s32 s4, s5;
	s4 =	smul.u32 $0x300, s4  }
0xf: {  	s26 =	simm.s32 $0x9880;
	s1 =	ssub.s32 s1, s7;
	s6 =	sadd.s32 $0x1400, s6  }
0x10: {  	v2 =	vlaneseq.u32;
	s7 =	simm.s32 $0x2;
	[dreg:$0x3] =	wrdreg s6;
	s4 =	sadd.s32 s3, s4  }
0x11: {  	vm0 =	vmmov $0xffff;
	v1 =	vshrl.u32 v2, $0x3;
	s3 =	sadd.s32 $0x1600, s5;
	s6 =	smax.u32 s1, $0x1;
	s1 =	simm.s32 $0x1  }
0x12: {  	v0 =	vand.u32 $0x7, v2;
	v2 =	vor.u32 $0x8, v2;
	v1 =	vmul.u32 $0x8, v1;
	[dreg:$0x4] =	wrdreg s4;
	s4 =	sadd.s32 $0x1700, s5;
	s5 =	sadd.s32 $0x1800, s5  }
.LBB2_1:
0x13: {  	s0 =	rddreg [dreg:$0x3]  }
0x14: {  	[tilespmem:s2], [sflag:$0x2] =	stream.linear.gather [hbm4b:s0+s2], $0x40, $0x38;
	[tilespmem:$0xC080] =	vst v63  }
0x15: {  	_ =	swait.ge [sflag:s7], $0x40  }
0x16: {  	[sflag:s7] =	ssyncset.done $0x0  }
0x17: {  	s0 =	rddreg [dreg:$0x4];
	[sflag:s7] =	ssyncadd.s32 $0xFFFFFFC0  }
0x18: {  	[tilespmem:s8], [sflag:$0x2] =	stream.linear.gather [hbm4b:s0+s2], $0xC000, $0x38;
	[tilespmem:$0xC080] =	vst v63  }
0x19: {  	_ =	swait.ge [sflag:s7], $0xC000  }
0x1a: {  	[sflag:s7] =	ssyncset.done $0x0  }
0x1b: {  	[sflag:s7] =	ssyncadd.s32 $0xFFFF4000  }
0x1c: {  	v3 =	vld [tilespmem:$0x0];
	_ =	sdelay $0x4  }
0x1d: {  	v4 =	vshrl.u32 v3, $0x3  }
0x1e: {  	v4 =	vmul.u32 $0x30, v4  }
0x1f: {  	v3 =	vand.u32 $0x7, v3  }
0x20: {  	v3 =	vor.u32 v3, v4  }
0x21: {  	v4 =	vperm.xlane v3, v0;
	_ =	sdelay $0x1  }
0x22: {  	v4 =	vadd.s32 v1, v4;
	_ =	sdelay $0x3  }
0x23: {  	v3 =	vperm.xlane v3, v2  }
0x24: {  	[hbm4b:s3+s2] =	stream.indirect_vreg.scatter [tilespmem:s8], [sflag:$0x1], $0x80, v4, vm0, $0xb8;
	[tilespmem:$0xC080] =	vst v63  }
0x25: {  	s0 =	rddreg [dreg:$0x5];
	v3 =	vadd.s32 v1, v3  }
0x26: {  	[hbm4b:s4+s2] =	stream.indirect_vreg.scatter [tilespmem:s0], [sflag:$0x1], $0x80, v4, vm0, $0xb8;
	[tilespmem:$0xC080] =	vst v63  }
0x27: {  	_ = 	snop  }
0x28: {  	[hbm4b:s5+s2] =	stream.indirect_vreg.scatter [tilespmem:s9], [sflag:$0x1], $0x80, v4, vm0, $0xb8;
	[tilespmem:$0xC080] =	vst v63  }
0x29: {  	_ = 	snop  }
0x2a: {  	[hbm4b:s3+s2] =	stream.indirect_vreg.scatter [tilespmem:s10], [sflag:$0x1], $0x80, v3, vm0, $0xb8;
	[tilespmem:$0xC080] =	vst v63  }
0x2b: {  	_ = 	snop  }
0x2c: {  	[hbm4b:s4+s2] =	stream.indirect_vreg.scatter [tilespmem:s11], [sflag:$0x1], $0x80, v3, vm0, $0xb8;
	[tilespmem:$0xC080] =	vst v63  }
0x2d: {  	_ = 	snop  }
0x2e: {  	[hbm4b:s5+s2] =	stream.indirect_vreg.scatter [tilespmem:s12], [sflag:$0x1], $0x80, v3, vm0, $0xb8;
	[tilespmem:$0xC080] =	vst v63  }
0x2f: {  	v3 =	vld [tilespmem:$0x10];
	_ =	sdelay $0x4  }
0x30: {  	v61 =	vshrl.u32 v3, $0x3  }
0x31: {  	v4 =	vmul.u32 $0x30, v61  }
0x32: {  	v3 =	vand.u32 $0x7, v3  }
0x33: {  	v3 =	vor.u32 v3, v4  }
0x34: {  	v4 =	vperm.xlane v3, v0;
	_ =	sdelay $0x1  }
0x35: {  	v4 =	vadd.s32 v1, v4;
	_ =	sdelay $0x3  }
0x36: {  	v3 =	vperm.xlane v3, v2  }
0x37: {  	[hbm4b:s3+s2] =	stream.indirect_vreg.scatter [tilespmem:s13], [sflag:$0x1], $0x80, v4, vm0, $0xb8;
	[tilespmem:$0xC080] =	vst v63  }
0x38: {  	v3 =	vadd.s32 v1, v3  }
0x39: {  	[hbm4b:s4+s2] =	stream.indirect_vreg.scatter [tilespmem:s14], [sflag:$0x1], $0x80, v4, vm0, $0xb8;
	[tilespmem:$0xC080] =	vst v63  }
0x3a: {  	_ = 	snop  }
0x3b: {  	[hbm4b:s5+s2] =	stream.indirect_vreg.scatter [tilespmem:s15], [sflag:$0x1], $0x80, v4, vm0, $0xb8;
	[tilespmem:$0xC080] =	vst v63  }
0x3c: {  	_ = 	snop  }
0x3d: {  	[hbm4b:s3+s2] =	stream.indirect_vreg.scatter [tilespmem:s16], [sflag:$0x1], $0x80, v3, vm0, $0xb8;
	[tilespmem:$0xC080] =	vst v63  }
0x3e: {  	_ = 	snop  }
0x3f: {  	[hbm4b:s4+s2] =	stream.indirect_vreg.scatter [tilespmem:s17], [sflag:$0x1], $0x80, v3, vm0, $0xb8;
	[tilespmem:$0xC080] =	vst v63  }
0x40: {  	_ = 	snop  }
0x41: {  	[hbm4b:s5+s2] =	stream.indirect_vreg.scatter [tilespmem:s18], [sflag:$0x1], $0x80, v3, vm0, $0xb8;
	[tilespmem:$0xC080] =	vst v63  }
0x42: {  	v3 =	vld [tilespmem:$0x20];
	_ =	sdelay $0x4  }
0x43: {  	v62 =	vshrl.u32 v3, $0x3  }
0x44: {  	v4 =	vmul.u32 $0x30, v62  }
0x45: {  	v3 =	vand.u32 $0x7, v3  }
0x46: {  	v3 =	vor.u32 v3, v4  }
0x47: {  	v4 =	vperm.xlane v3, v0;
	_ =	sdelay $0x1  }
0x48: {  	v4 =	vadd.s32 v1, v4;
	_ =	sdelay $0x3  }
0x49: {  	v3 =	vperm.xlane v3, v2  }
0x4a: {  	[hbm4b:s3+s2] =	stream.indirect_vreg.scatter [tilespmem:s19], [sflag:$0x1], $0x80, v4, vm0, $0xb8;
	[tilespmem:$0xC080] =	vst v63  }
0x4b: {  	v3 =	vadd.s32 v1, v3  }
0x4c: {  	[hbm4b:s4+s2] =	stream.indirect_vreg.scatter [tilespmem:s20], [sflag:$0x1], $0x80, v4, vm0, $0xb8;
	[tilespmem:$0xC080] =	vst v63  }
0x4d: {  	_ = 	snop  }
0x4e: {  	[hbm4b:s5+s2] =	stream.indirect_vreg.scatter [tilespmem:s21], [sflag:$0x1], $0x80, v4, vm0, $0xb8;
	[tilespmem:$0xC080] =	vst v63  }
0x4f: {  	_ = 	snop  }
0x50: {  	[hbm4b:s3+s2] =	stream.indirect_vreg.scatter [tilespmem:s22], [sflag:$0x1], $0x80, v3, vm0, $0xb8;
	[tilespmem:$0xC080] =	vst v63  }
0x51: {  	_ = 	snop  }
0x52: {  	[hbm4b:s4+s2] =	stream.indirect_vreg.scatter [tilespmem:s23], [sflag:$0x1], $0x80, v3, vm0, $0xb8;
	[tilespmem:$0xC080] =	vst v63  }
0x53: {  	_ = 	snop  }
0x54: {  	[hbm4b:s5+s2] =	stream.indirect_vreg.scatter [tilespmem:s24], [sflag:$0x1], $0x80, v3, vm0, $0xb8;
	[tilespmem:$0xC080] =	vst v63  }
0x55: {  	v3 =	vld [tilespmem:$0x30];
	_ =	sdelay $0x4  }
0x56: {  	v63 =	vshrl.u32 v3, $0x3  }
0x57: {  	v4 =	vmul.u32 $0x30, v63  }
0x58: {  	v3 =	vand.u32 $0x7, v3  }
0x59: {  	v3 =	vor.u32 v3, v4  }
0x5a: {  	v4 =	vperm.xlane v3, v0;
	_ =	sdelay $0x1  }
0x5b: {  	v4 =	vadd.s32 v1, v4;
	_ =	sdelay $0x3  }
0x5c: {  	v3 =	vperm.xlane v3, v2  }
0x5d: {  	[hbm4b:s3+s2] =	stream.indirect_vreg.scatter [tilespmem:s25], [sflag:$0x1], $0x80, v4, vm0, $0xb8;
	[tilespmem:$0xC080] =	vst v63  }
0x5e: {  	v3 =	vadd.s32 v1, v3  }
0x5f: {  	[hbm4b:s4+s2] =	stream.indirect_vreg.scatter [tilespmem:s26], [sflag:$0x1], $0x80, v4, vm0, $0xb8;
	[tilespmem:$0xC080] =	vst v63  }
0x60: {  	_ = 	snop  }
0x61: {  	[hbm4b:s5+s2] =	stream.indirect_vreg.scatter [tilespmem:s28], [sflag:$0x1], $0x80, v4, vm0, $0xb8;
	[tilespmem:$0xC080] =	vst v63  }
0x62: {  	_ = 	snop  }
0x63: {  	[hbm4b:s3+s2] =	stream.indirect_vreg.scatter [tilespmem:s29], [sflag:$0x1], $0x80, v3, vm0, $0xb8;
	[tilespmem:$0xC080] =	vst v63  }
0x64: {  	p0 =	sne.s32 s6, $0x1  }
0x65: {  	[hbm4b:s4+s2] =	stream.indirect_vreg.scatter [tilespmem:s30], [sflag:$0x1], $0x80, v3, vm0, $0xb8;
	[tilespmem:$0xC080] =	vst v63  }
.Ltmp0:
0x66: {  	_ = 	snop;
	(pc) =	sbr.rel @p0 .LBB2_1-.Ltmp0, $4  }
0x67: {  	[hbm4b:s5+s2] =	stream.indirect_vreg.scatter [tilespmem:s31], [sflag:$0x1], $0x80, v3, vm0, $0xb8;
	[tilespmem:$0xC080] =	vst v63  }
0x68: {  	_ =	swait.ge [sflag:s1], $0xC000  }
0x69: {  	[sflag:s1] =	ssyncset.done $0x0  }
0x6a: {  	s6 =	sadd.s32 $0xFFFFFFFF, s6;
	[sflag:s1] =	ssyncadd.s32 $0xFFFF4000  }
0x6b: {  	_ =	sfence.sel $0x180000  }
0x6c: {  	[bflag:$0x0] =	sbarrier.arrive $0xFFFF  }
0x6d: {  	_ =	strace $0x90000047  }
0x6e: {  	s0 =	stileid.u32;
	[bflag:$0x2] =	sbarrier.arrive $0xFFFF  }
0x6f: {  	p0 =	sne.s32 s0, $0x0;
	s0 =	rddreg [dreg:$0x2]  }
0x70: {  	s0 =	sadd.s32 @!p0 $0x100000, s0  }
0x71: {  	[sflag:s0] =	ssyncadd.tile.s32 @!p0 $0x1;
	_ =	shalt  }
.Lfunc_end2:
_tile_overlayer_lowered:
.L_overlay_start_2:
0x72: {  	(tag) =	ssettag $0x2  }
0x73: {  	s0 =	rddreg [dreg:$0x0];
	s2 =	stileid.u32  }
0x74: {  	s1 =	rddreg [dreg:$0x1];
	p0 =	sne.s32 s2, $0x0  }
0x75: {  	s3 =	rddreg [dreg:$0x2];
	[bflag:$0x3] =	sbarrier.arrive $0xFFFF;
	s2 =	simm.s32 @!p0 $0x1C02  }
0x76: {  	[timem:s3], [sflag:s2] =	dma.local @!p0 [hbm:s0], s1  }
0x77: {  	s0 =	simm.s32 @!p0 $0x2  }
0x78: {  	_ =	swait.ge @!p0 [sflag:s0], s1  }
0x79: {  	s1 =	ssub.s32 @!p0 $0x0, s1;
	[sflag:s0] =	ssyncset.done @!p0 $0x0  }
0x7a: {  	[sflag:s0] =	ssyncadd.s32 @!p0 s1  }
0x7b: {  	[bflag:$0x3] =	sbarrier.arrive $0xFFFF  }
0x7c: {  	_ =	shalt  }

</sc_bundles>
